<compile_context>
chip_gen: v7x
topology: tpu7x:2x2x1
jax: 0.10.2.dev20260603
libtpu: 0.0.44.dev20260713+nightly
codegen_flags: <defaults>
</compile_context>

<pallas_src>
import functools

import jax
import jax.numpy as jnp
from jax import lax
from jax.experimental import pallas as pl
from jax.experimental.pallas import tpu as pltpu
from jax.experimental.pallas import tpu_sc as plsc

_TOPK = 4
_E = 64
_LANES = 16


def _scores_block(x_ref, wt_ref, b_ref, out_ref):
    logits = jnp.dot(x_ref[...], wt_ref[...],
                     preferred_element_type=jnp.float32) + b_ref[...]
    m = jnp.max(logits, axis=-1, keepdims=True)
    ex = jnp.exp(logits - m)
    out_ref[...] = ex / jnp.sum(ex, axis=-1, keepdims=True)


def _tc_scores(flat, wt, bias2, blk=1024):
    n, h = flat.shape
    e = wt.shape[1]
    return pl.pallas_call(
        _scores_block,
        grid=(n // blk,),
        in_specs=[
            pl.BlockSpec((blk, h), lambda i: (i, 0)),
            pl.BlockSpec((h, e), lambda i: (0, 0)),
            pl.BlockSpec((1, e), lambda i: (0, 0)),
        ],
        out_specs=pl.BlockSpec((blk, e), lambda i: (i, 0)),
        out_shape=jax.ShapeDtypeStruct((n, e), jnp.float32),
    )(flat, wt, bias2)


def _sc_topk_body(scores_hbm, full_hbm, idx_hbm, buf, idxbuf, *, rpw):
    nc = 2
    wid = lax.axis_index("s") * nc + lax.axis_index("c")
    base = wid * rpw
    pltpu.sync_copy(scores_hbm.at[pl.ds(base, rpw)], buf)

    iota16 = lax.broadcasted_iota(jnp.int32, (_LANES,), 0)
    ninf = jnp.float32(-jnp.inf)
    perms = [jnp.arange(_LANES, dtype=jnp.int32) ^ d for d in (8, 4, 2, 1)]

    dnums = lax.GatherDimensionNumbers(
        offset_dims=(), collapsed_slice_dims=(0,), start_index_map=(0,))

    def _shuf(x, perm):
        return lax.gather(x, perm[:, None], dnums, slice_sizes=(1,),
                          mode=lax.GatherScatterMode.PROMISE_IN_BOUNDS)

    def row_body(r, idxacc):
        v = [buf[r, pl.ds(_LANES * j, _LANES)] for j in range(4)]
        f = [jnp.zeros((_LANES,), jnp.float32) for _ in range(4)]
        for k in range(_TOPK):
            mx = jnp.maximum(jnp.maximum(v[0], v[1]),
                             jnp.maximum(v[2], v[3]))
            for p in perms:
                mx = jnp.maximum(mx, _shuf(mx, p))
            idx = jnp.full((_LANES,), _E, jnp.int32)
            for j in range(4):
                cand = jnp.where(v[j] == mx, iota16 + _LANES * j, _E)
                idx = jnp.minimum(idx, cand)
            for p in perms:
                idx = jnp.minimum(idx, _shuf(idx, p))
            for j in range(4):
                hit = (iota16 + _LANES * j) == idx
                f[j] = jnp.where(hit, mx, f[j])
                v[j] = jnp.where(hit, ninf, v[j])
            idxacc = jnp.where(iota16 == ((r % 4) * _TOPK + k), idx, idxacc)
        for j in range(4):
            buf[r, pl.ds(_LANES * j, _LANES)] = f[j]

        @pl.when(r % 4 == 3)
        def _():
            idxbuf[pl.ds((r // 4) * _LANES, _LANES)] = idxacc

        return idxacc

    lax.fori_loop(0, rpw, row_body, jnp.zeros((_LANES,), jnp.int32))

    pltpu.sync_copy(buf, full_hbm.at[pl.ds(base, rpw)])
    pltpu.sync_copy(idxbuf, idx_hbm.at[pl.ds(base * _TOPK, rpw * _TOPK)])


def _sc_topk(scores):
    n = scores.shape[0]
    rpw = n // 32
    mesh = plsc.VectorSubcoreMesh(core_axis_name="c", subcore_axis_name="s")
    fn = functools.partial(
        pl.kernel,
        out_type=[
            jax.ShapeDtypeStruct((n, _E), jnp.float32),
            jax.ShapeDtypeStruct((n * _TOPK,), jnp.int32),
        ],
        mesh=mesh,
        scratch_types=[
            pltpu.VMEM((rpw, _E), jnp.float32),
            pltpu.VMEM((rpw * _TOPK,), jnp.int32),
        ],
    )(functools.partial(_sc_topk_body, rpw=rpw))
    full, idx_flat = fn(scores)
    return full, idx_flat.reshape(n, _TOPK)


@jax.jit
def kernel(hidden_states, weight, bias):
    b, s, h = hidden_states.shape
    e = weight.shape[0]
    n = b * s
    flat = hidden_states.reshape(n, h)
    wt = weight.T
    bias2 = bias.reshape(1, e)

    nchunk = 2
    cn = n // nchunk
    fulls, idxs = [], []
    for c in range(nchunk):
        scores_c = _tc_scores(flat[c * cn:(c + 1) * cn], wt, bias2)
        full_c, idx_c = _sc_topk(scores_c)
        fulls.append(full_c)
        idxs.append(idx_c)
    return (jnp.concatenate(fulls, 0), jnp.concatenate(idxs, 0))

# --- scband reference (transcript-rebuilt; emitter-appended) ---
"""Pipeline reference for scband-fake-router-62878321214299 (READ-ONLY COPY).

The authoritative reference and input builder live on the scoring server;
editing this copy changes nothing except your own understanding.
"""

import jax, jax.numpy as jnp
import numpy as np

B, S, H, E = 4, 4096, 2048, 64
TOPK = 4

def setup_inputs(seed: int = 0) -> dict:
    key = jax.random.key(seed)
    k1, k2 = jax.random.split(key, 2)
    hidden_states = jax.random.normal(k1, (B, S, H), dtype=jnp.float32)
    weight = jax.random.normal(k2, (E, H), dtype=jnp.float32) * 0.01
    bias = jnp.zeros((E,), dtype=jnp.float32)
    return {"hidden_states": hidden_states, "weight": weight, "bias": bias}

def reference(hidden_states, weight, bias):
    b, s, h = hidden_states.shape
    flat = hidden_states.reshape(b * s, h)
    logits = flat @ weight.T + bias
    scores = jax.nn.softmax(logits, axis=-1)
    topk_scores, topk_indices = jax.lax.top_k(scores, TOPK)
    n = b * s
    rows = jnp.arange(n)[:, None]
    full_scores = jnp.zeros_like(scores).at[rows, topk_indices].set(topk_scores)
    return (full_scores, topk_indices)

if __name__ == "__main__":
    import jax
    _d = setup_inputs()
    print(jax.jit(kernel)(*tuple(_d.values())))

</pallas_src>

<mosaic_0001>
#map = affine_map<(d0, d1) -> (0, 0)>
#map1 = affine_map<(d0, d1) -> (0)>
module attributes {stable_mosaic.version = 14 : i64} {
  func.func @_sc_topk_body(%arg0: i32, %arg1: i32, %arg2: memref<8192x64xf32, #tpu.memory_space<hbm>>, %arg3: memref<8192x64xf32, #tpu.memory_space<hbm>>, %arg4: memref<32768xi32, #tpu.memory_space<hbm>>, %arg5: memref<256x64xf32, #tpu.memory_space<vmem>>, %arg6: memref<1024xi32, #tpu.memory_space<vmem>>) attributes {dimension_semantics = [#tpu.dimension_semantics<core_parallel>, #tpu.dimension_semantics<subcore_parallel>], iteration_bounds = array<i64: 2, 16>, scalar_prefetch = 0 : i64, scratch_operands = 2 : i64, tpu.core_type = #tpu.core_type<sc_vector_subcore>, window_params = [{transform_indices = #map}, {transform_indices = #map}, {transform_indices = #map1}]} {
    %mul3A = arith.constant 2 : i32
    %mul3A_0 = arith.muli %arg1, %mul3A : i32
    %add3A = arith.addi %mul3A_0, %arg0 : i32
    %mul3A_1 = arith.constant 256 : i32
    %mul3A_2 = arith.muli %add3A, %mul3A_1 : i32
    "tpu.region"() ({
      %run_scoped3A = tpu.sem_alloc : memref<!tpu.dma_semaphore, #tpu.memory_space<semaphore_mem>>
      %dma_start3A = arith.constant 0 : i32
      %dma_start3A_27 = tpu.memref_slice %arg2[%mul3A_2, %dma_start3A] : memref<8192x64xf32, #tpu.memory_space<hbm>> -> memref<256x64xf32, #tpu.memory_space<hbm>>
      %dma_start3A_28 = arith.constant 0 : i32
      %dma_start3A_29 = tpu.memref_slice %arg2[%mul3A_2, %dma_start3A_28] : memref<8192x64xf32, #tpu.memory_space<hbm>> -> memref<256x64xf32, #tpu.memory_space<hbm>>
      tpu.enqueue_dma source(%dma_start3A_29 : memref<256x64xf32, #tpu.memory_space<hbm>>) target(%arg5 : memref<256x64xf32, #tpu.memory_space<vmem>>) target_semaphore(%run_scoped3A : memref<!tpu.dma_semaphore, #tpu.memory_space<semaphore_mem>>)
      %dma_wait3A = arith.constant 0 : i32
      %dma_wait3A_30 = tpu.memref_slice %arg2[%mul3A_2, %dma_wait3A] : memref<8192x64xf32, #tpu.memory_space<hbm>> -> memref<256x64xf32, #tpu.memory_space<hbm>>
      %dma_wait3A_31 = arith.constant 0 : i32
      %dma_wait3A_32 = tpu.memref_slice %arg2[%mul3A_2, %dma_wait3A_31] : memref<8192x64xf32, #tpu.memory_space<hbm>> -> memref<256x64xf32, #tpu.memory_space<hbm>>
      tpu.wait_dma2 semaphore(%run_scoped3A : memref<!tpu.dma_semaphore, #tpu.memory_space<semaphore_mem>>) src(%dma_wait3A_32 : memref<256x64xf32, #tpu.memory_space<hbm>>) dst(%arg5 : memref<256x64xf32, #tpu.memory_space<vmem>>)
      tpu.yield
    }) : () -> ()
    %iota3A = tpu.iota {dimensions = array<i32: 0>} : vector<16xi32>
    %iota3A_3 = tpu.iota {dimensions = array<i32: 0>} : vector<16xi32>
    %xor3A = arith.constant 8 : i32
    %xor3A_4 = vector.broadcast %xor3A : i32 to vector<16xi32>
    %xor3A_5 = arith.xori %iota3A_3, %xor3A_4 : vector<16xi32>
    %iota3A_6 = tpu.iota {dimensions = array<i32: 0>} : vector<16xi32>
    %xor3A_7 = arith.constant 4 : i32
    %xor3A_8 = vector.broadcast %xor3A_7 : i32 to vector<16xi32>
    %xor3A_9 = arith.xori %iota3A_6, %xor3A_8 : vector<16xi32>
    %iota3A_10 = tpu.iota {dimensions = array<i32: 0>} : vector<16xi32>
    %xor3A_11 = arith.constant 2 : i32
    %xor3A_12 = vector.broadcast %xor3A_11 : i32 to vector<16xi32>
    %xor3A_13 = arith.xori %iota3A_10, %xor3A_12 : vector<16xi32>
    %iota3A_14 = tpu.iota {dimensions = array<i32: 0>} : vector<16xi32>
    %xor3A_15 = arith.constant 1 : i32
    %xor3A_16 = vector.broadcast %xor3A_15 : i32 to vector<16xi32>
    %xor3A_17 = arith.xori %iota3A_14, %xor3A_16 : vector<16xi32>
    %broadcast_in_dim3A = arith.constant 0 : i32
    %broadcast_in_dim3A_18 = vector.broadcast %broadcast_in_dim3A : i32 to vector<16xi32>
    %scan3A = arith.constant 0xFF800000 : f32
    %scan3A_19 = arith.constant 0 : i32
    %scan3A_20 = arith.constant 256 : i32
    %scan3A_21 = arith.addi %scan3A_19, %scan3A_20 : i32
    %scan3A_22 = arith.constant 1 : i32
    %scan3A_23 = scf.for %scan3A_27 = %scan3A_19 to %scan3A_21 step %scan3A_22 iter_args(%scan3A_28 = %broadcast_in_dim3A_18) -> (vector<16xi32>)  : i32 {
      %get3A = arith.index_cast %scan3A_27 : i32 to index
      %get3A_29 = arith.constant 0 : index
      %get3A_30 = tpu.vector_load %arg5[%get3A, %get3A_29] {strides = array<i32>} : memref<256x64xf32, #tpu.memory_space<vmem>>, vector<1x16xf32>,
      %get3A_31 = vector.shape_cast %get3A_30 : vector<1x16xf32> to vector<16xf32>
      %get3A_32 = arith.index_cast %scan3A_27 : i32 to index
      %get3A_33 = arith.constant 16 : index
      %get3A_34 = tpu.vector_load %arg5[%get3A_32, %get3A_33] {strides = array<i32>} : memref<256x64xf32, #tpu.memory_space<vmem>>, vector<1x16xf32>,
      %get3A_35 = vector.shape_cast %get3A_34 : vector<1x16xf32> to vector<16xf32>
      %get3A_36 = arith.index_cast %scan3A_27 : i32 to index
      %get3A_37 = arith.constant 32 : index
      %get3A_38 = tpu.vector_load %arg5[%get3A_36, %get3A_37] {strides = array<i32>} : memref<256x64xf32, #tpu.memory_space<vmem>>, vector<1x16xf32>,
      %get3A_39 = vector.shape_cast %get3A_38 : vector<1x16xf32> to vector<16xf32>
      %get3A_40 = arith.index_cast %scan3A_27 : i32 to index
      %get3A_41 = arith.constant 48 : index
      %get3A_42 = tpu.vector_load %arg5[%get3A_40, %get3A_41] {strides = array<i32>} : memref<256x64xf32, #tpu.memory_space<vmem>>, vector<1x16xf32>,
      %get3A_43 = vector.shape_cast %get3A_42 : vector<1x16xf32> to vector<16xf32>
      %broadcast_in_dim3A_44 = arith.constant 0.000000e+00 : f32
      %broadcast_in_dim3A_45 = vector.broadcast %broadcast_in_dim3A_44 : f32 to vector<16xf32>
      %broadcast_in_dim3A_46 = arith.constant 0.000000e+00 : f32
      %broadcast_in_dim3A_47 = vector.broadcast %broadcast_in_dim3A_46 : f32 to vector<16xf32>
      %broadcast_in_dim3A_48 = arith.constant 0.000000e+00 : f32
      %broadcast_in_dim3A_49 = vector.broadcast %broadcast_in_dim3A_48 : f32 to vector<16xf32>
      %broadcast_in_dim3A_50 = arith.constant 0.000000e+00 : f32
      %broadcast_in_dim3A_51 = vector.broadcast %broadcast_in_dim3A_50 : f32 to vector<16xf32>
      %max3A = arith.maximumf %get3A_31, %get3A_35 : vector<16xf32>
      %max3A_52 = arith.maximumf %get3A_39, %get3A_43 : vector<16xf32>
      %max3A_53 = arith.maximumf %max3A, %max3A_52 : vector<16xf32>
      %broadcast_in_dim3A_54 = vector.shape_cast %xor3A_5 : vector<16xi32> to vector<16x1xi32>
      %gather3A = vector.shape_cast %broadcast_in_dim3A_54 : vector<16x1xi32> to vector<16xi32>
      %gather3A_55 = tpu.dynamic_gather %max3A_53[%gather3A] in [0] : vector<16xf32>, vector<16xi32> -> vector<16xf32>
      %max3A_56 = arith.maximumf %max3A_53, %gather3A_55 : vector<16xf32>
      %broadcast_in_dim3A_57 = vector.shape_cast %xor3A_9 : vector<16xi32> to vector<16x1xi32>
      %gather3A_58 = vector.shape_cast %broadcast_in_dim3A_57 : vector<16x1xi32> to vector<16xi32>
      %gather3A_59 = tpu.dynamic_gather %max3A_56[%gather3A_58] in [0] : vector<16xf32>, vector<16xi32> -> vector<16xf32>
      %max3A_60 = arith.maximumf %max3A_56, %gather3A_59 : vector<16xf32>
      %broadcast_in_dim3A_61 = vector.shape_cast %xor3A_13 : vector<16xi32> to vector<16x1xi32>
      %gather3A_62 = vector.shape_cast %broadcast_in_dim3A_61 : vector<16x1xi32> to vector<16xi32>
      %gather3A_63 = tpu.dynamic_gather %max3A_60[%gather3A_62] in [0] : vector<16xf32>, vector<16xi32> -> vector<16xf32>
      %max3A_64 = arith.maximumf %max3A_60, %gather3A_63 : vector<16xf32>
      %broadcast_in_dim3A_65 = vector.shape_cast %xor3A_17 : vector<16xi32> to vector<16x1xi32>
      %gather3A_66 = vector.shape_cast %broadcast_in_dim3A_65 : vector<16x1xi32> to vector<16xi32>
      %gather3A_67 = tpu.dynamic_gather %max3A_64[%gather3A_66] in [0] : vector<16xf32>, vector<16xi32> -> vector<16xf32>
      %max3A_68 = arith.maximumf %max3A_64, %gather3A_67 : vector<16xf32>
      %broadcast_in_dim3A_69 = arith.constant 64 : i32
      %broadcast_in_dim3A_70 = vector.broadcast %broadcast_in_dim3A_69 : i32 to vector<16xi32>
      %eq3A = arith.cmpf oeq, %get3A_31, %max3A_68 : vector<16xf32>
      %add3A_71 = arith.constant 0 : i32
      %add3A_72 = vector.broadcast %add3A_71 : i32 to vector<16xi32>
      %add3A_73 = arith.addi %iota3A, %add3A_72 : vector<16xi32>
      %jit3A = arith.constant 64 : i32
      %broadcast_in_dim3A_74 = vector.broadcast %jit3A : i32 to vector<16xi32>
      %select_n3A = arith.select %eq3A, %add3A_73, %broadcast_in_dim3A_74 : vector<16xi1>, vector<16xi32>
      %min3A = arith.minsi %broadcast_in_dim3A_70, %select_n3A : vector<16xi32>
      %eq3A_75 = arith.cmpf oeq, %get3A_35, %max3A_68 : vector<16xf32>
      %add3A_76 = arith.constant 16 : i32
      %add3A_77 = vector.broadcast %add3A_76 : i32 to vector<16xi32>
      %add3A_78 = arith.addi %iota3A, %add3A_77 : vector<16xi32>
      %jit3A_79 = arith.constant 64 : i32
      %broadcast_in_dim3A_80 = vector.broadcast %jit3A_79 : i32 to vector<16xi32>
      %select_n3A_81 = arith.select %eq3A_75, %add3A_78, %broadcast_in_dim3A_80 : vector<16xi1>, vector<16xi32>
      %min3A_82 = arith.minsi %min3A, %select_n3A_81 : vector<16xi32>
      %eq3A_83 = arith.cmpf oeq, %get3A_39, %max3A_68 : vector<16xf32>
      %add3A_84 = arith.constant 32 : i32
      %add3A_85 = vector.broadcast %add3A_84 : i32 to vector<16xi32>
      %add3A_86 = arith.addi %iota3A, %add3A_85 : vector<16xi32>
      %jit3A_87 = arith.constant 64 : i32
      %broadcast_in_dim3A_88 = vector.broadcast %jit3A_87 : i32 to vector<16xi32>
      %select_n3A_89 = arith.select %eq3A_83, %add3A_86, %broadcast_in_dim3A_88 : vector<16xi1>, vector<16xi32>
      %min3A_90 = arith.minsi %min3A_82, %select_n3A_89 : vector<16xi32>
      %eq3A_91 = arith.cmpf oeq, %get3A_43, %max3A_68 : vector<16xf32>
      %add3A_92 = arith.constant 48 : i32
      %add3A_93 = vector.broadcast %add3A_92 : i32 to vector<16xi32>
      %add3A_94 = arith.addi %iota3A, %add3A_93 : vector<16xi32>
      %jit3A_95 = arith.constant 64 : i32
      %broadcast_in_dim3A_96 = vector.broadcast %jit3A_95 : i32 to vector<16xi32>
      %select_n3A_97 = arith.select %eq3A_91, %add3A_94, %broadcast_in_dim3A_96 : vector<16xi1>, vector<16xi32>
      %min3A_98 = arith.minsi %min3A_90, %select_n3A_97 : vector<16xi32>
      %broadcast_in_dim3A_99 = vector.shape_cast %xor3A_5 : vector<16xi32> to vector<16x1xi32>
      %gather3A_100 = vector.shape_cast %broadcast_in_dim3A_99 : vector<16x1xi32> to vector<16xi32>
      %gather3A_101 = tpu.dynamic_gather %min3A_98[%gather3A_100] in [0] : vector<16xi32>, vector<16xi32> -> vector<16xi32>
      %min3A_102 = arith.minsi %min3A_98, %gather3A_101 : vector<16xi32>
      %broadcast_in_dim3A_103 = vector.shape_cast %xor3A_9 : vector<16xi32> to vector<16x1xi32>
      %gather3A_104 = vector.shape_cast %broadcast_in_dim3A_103 : vector<16x1xi32> to vector<16xi32>
      %gather3A_105 = tpu.dynamic_gather %min3A_102[%gather3A_104] in [0] : vector<16xi32>, vector<16xi32> -> vector<16xi32>
      %min3A_106 = arith.minsi %min3A_102, %gather3A_105 : vector<16xi32>
      %broadcast_in_dim3A_107 = vector.shape_cast %xor3A_13 : vector<16xi32> to vector<16x1xi32>
      %gather3A_108 = vector.shape_cast %broadcast_in_dim3A_107 : vector<16x1xi32> to vector<16xi32>
      %gather3A_109 = tpu.dynamic_gather %min3A_106[%gather3A_108] in [0] : vector<16xi32>, vector<16xi32> -> vector<16xi32>
      %min3A_110 = arith.minsi %min3A_106, %gather3A_109 : vector<16xi32>
      %broadcast_in_dim3A_111 = vector.shape_cast %xor3A_17 : vector<16xi32> to vector<16x1xi32>
      %gather3A_112 = vector.shape_cast %broadcast_in_dim3A_111 : vector<16x1xi32> to vector<16xi32>
      %gather3A_113 = tpu.dynamic_gather %min3A_110[%gather3A_112] in [0] : vector<16xi32>, vector<16xi32> -> vector<16xi32>
      %min3A_114 = arith.minsi %min3A_110, %gather3A_113 : vector<16xi32>
      %add3A_115 = arith.constant 0 : i32
      %add3A_116 = vector.broadcast %add3A_115 : i32 to vector<16xi32>
      %add3A_117 = arith.addi %iota3A, %add3A_116 : vector<16xi32>
      %eq3A_118 = arith.cmpi eq, %add3A_117, %min3A_114 : vector<16xi32>
      %select_n3A_119 = arith.select %eq3A_118, %max3A_68, %broadcast_in_dim3A_45 : vector<16xi1>, vector<16xf32>
      %broadcast_in_dim3A_120 = vector.broadcast %scan3A : f32 to vector<16xf32>
      %select_n3A_121 = arith.select %eq3A_118, %broadcast_in_dim3A_120, %get3A_31 : vector<16xi1>, vector<16xf32>
      %add3A_122 = arith.constant 16 : i32
      %add3A_123 = vector.broadcast %add3A_122 : i32 to vector<16xi32>
      %add3A_124 = arith.addi %iota3A, %add3A_123 : vector<16xi32>
      %eq3A_125 = arith.cmpi eq, %add3A_124, %min3A_114 : vector<16xi32>
      %select_n3A_126 = arith.select %eq3A_125, %max3A_68, %broadcast_in_dim3A_47 : vector<16xi1>, vector<16xf32>
      %broadcast_in_dim3A_127 = vector.broadcast %scan3A : f32 to vector<16xf32>
      %select_n3A_128 = arith.select %eq3A_125, %broadcast_in_dim3A_127, %get3A_35 : vector<16xi1>, vector<16xf32>
      %add3A_129 = arith.constant 32 : i32
      %add3A_130 = vector.broadcast %add3A_129 : i32 to vector<16xi32>
      %add3A_131 = arith.addi %iota3A, %add3A_130 : vector<16xi32>
      %eq3A_132 = arith.cmpi eq, %add3A_131, %min3A_114 : vector<16xi32>
      %select_n3A_133 = arith.select %eq3A_132, %max3A_68, %broadcast_in_dim3A_49 : vector<16xi1>, vector<16xf32>
      %broadcast_in_dim3A_134 = vector.broadcast %scan3A : f32 to vector<16xf32>
      %select_n3A_135 = arith.select %eq3A_132, %broadcast_in_dim3A_134, %get3A_39 : vector<16xi1>, vector<16xf32>
      %add3A_136 = arith.constant 48 : i32
      %add3A_137 = vector.broadcast %add3A_136 : i32 to vector<16xi32>
      %add3A_138 = arith.addi %iota3A, %add3A_137 : vector<16xi32>
      %eq3A_139 = arith.cmpi eq, %add3A_138, %min3A_114 : vector<16xi32>
      %select_n3A_140 = arith.select %eq3A_139, %max3A_68, %broadcast_in_dim3A_51 : vector<16xi1>, vector<16xf32>
      %broadcast_in_dim3A_141 = vector.broadcast %scan3A : f32 to vector<16xf32>
      %select_n3A_142 = arith.select %eq3A_139, %broadcast_in_dim3A_141, %get3A_43 : vector<16xi1>, vector<16xf32>
      %jit3A_143 = arith.constant 4 : i32
      %eq3A_144 = arith.constant 0 : i32
      %eq3A_145 = arith.cmpi eq, %jit3A_143, %eq3A_144 : i32
      %jit3A_146 = arith.constant 1 : i32
      %select_n3A_147 = arith.select %eq3A_145, %jit3A_146, %jit3A_143 : i32
      %rem3A = arith.remsi %scan3A_27, %select_n3A_147 : i32
      %ne3A = arith.constant 0 : i32
      %ne3A_148 = arith.cmpi ne, %rem3A, %ne3A : i32
      %lt3A = arith.constant 0 : i32
      %lt3A_149 = arith.cmpi slt, %rem3A, %lt3A : i32
      %lt3A_150 = arith.constant 0 : i32
      %lt3A_151 = arith.cmpi slt, %select_n3A_147, %lt3A_150 : i32
      %ne3A_152 = arith.xori %lt3A_149, %lt3A_151 : i1
      %and3A = arith.andi %ne3A_152, %ne3A_148 : i1
      %add3A_153 = arith.addi %rem3A, %select_n3A_147 : i32
      %select_n3A_154 = arith.select %and3A, %add3A_153, %rem3A : i32
      %mul3A_155 = arith.constant 4 : i32
      %mul3A_156 = arith.muli %select_n3A_154, %mul3A_155 : i32
      %add3A_157 = arith.constant 0 : i32
      %add3A_158 = arith.addi %mul3A_156, %add3A_157 : i32
      %eq3A_159 = vector.broadcast %add3A_158 : i32 to vector<16xi32>
      %eq3A_160 = arith.cmpi eq, %iota3A, %eq3A_159 : vector<16xi32>
      %select_n3A_161 = arith.select %eq3A_160, %min3A_114, %scan3A_28 : vector<16xi1>, vector<16xi32>
      %max3A_162 = arith.maximumf %select_n3A_121, %select_n3A_128 : vector<16xf32>
      %max3A_163 = arith.maximumf %select_n3A_135, %select_n3A_142 : vector<16xf32>
      %max3A_164 = arith.maximumf %max3A_162, %max3A_163 : vector<16xf32>
      %broadcast_in_dim3A_165 = vector.shape_cast %xor3A_5 : vector<16xi32> to vector<16x1xi32>
      %gather3A_166 = vector.shape_cast %broadcast_in_dim3A_165 : vector<16x1xi32> to vector<16xi32>
      %gather3A_167 = tpu.dynamic_gather %max3A_164[%gather3A_166] in [0] : vector<16xf32>, vector<16xi32> -> vector<16xf32>
      %max3A_168 = arith.maximumf %max3A_164, %gather3A_167 : vector<16xf32>
      %broadcast_in_dim3A_169 = vector.shape_cast %xor3A_9 : vector<16xi32> to vector<16x1xi32>
      %gather3A_170 = vector.shape_cast %broadcast_in_dim3A_169 : vector<16x1xi32> to vector<16xi32>
      %gather3A_171 = tpu.dynamic_gather %max3A_168[%gather3A_170] in [0] : vector<16xf32>, vector<16xi32> -> vector<16xf32>
      %max3A_172 = arith.maximumf %max3A_168, %gather3A_171 : vector<16xf32>
      %broadcast_in_dim3A_173 = vector.shape_cast %xor3A_13 : vector<16xi32> to vector<16x1xi32>
      %gather3A_174 = vector.shape_cast %broadcast_in_dim3A_173 : vector<16x1xi32> to vector<16xi32>
      %gather3A_175 = tpu.dynamic_gather %max3A_172[%gather3A_174] in [0] : vector<16xf32>, vector<16xi32> -> vector<16xf32>
      %max3A_176 = arith.maximumf %max3A_172, %gather3A_175 : vector<16xf32>
      %broadcast_in_dim3A_177 = vector.shape_cast %xor3A_17 : vector<16xi32> to vector<16x1xi32>
      %gather3A_178 = vector.shape_cast %broadcast_in_dim3A_177 : vector<16x1xi32> to vector<16xi32>
      %gather3A_179 = tpu.dynamic_gather %max3A_176[%gather3A_178] in [0] : vector<16xf32>, vector<16xi32> -> vector<16xf32>
      %max3A_180 = arith.maximumf %max3A_176, %gather3A_179 : vector<16xf32>
      %broadcast_in_dim3A_181 = arith.constant 64 : i32
      %broadcast_in_dim3A_182 = vector.broadcast %broadcast_in_dim3A_181 : i32 to vector<16xi32>
      %eq3A_183 = arith.cmpf oeq, %select_n3A_121, %max3A_180 : vector<16xf32>
      %add3A_184 = arith.constant 0 : i32
      %add3A_185 = vector.broadcast %add3A_184 : i32 to vector<16xi32>
      %add3A_186 = arith.addi %iota3A, %add3A_185 : vector<16xi32>
      %jit3A_187 = arith.constant 64 : i32
      %broadcast_in_dim3A_188 = vector.broadcast %jit3A_187 : i32 to vector<16xi32>
      %select_n3A_189 = arith.select %eq3A_183, %add3A_186, %broadcast_in_dim3A_188 : vector<16xi1>, vector<16xi32>
      %min3A_190 = arith.minsi %broadcast_in_dim3A_182, %select_n3A_189 : vector<16xi32>
      %eq3A_191 = arith.cmpf oeq, %select_n3A_128, %max3A_180 : vector<16xf32>
      %add3A_192 = arith.constant 16 : i32
      %add3A_193 = vector.broadcast %add3A_192 : i32 to vector<16xi32>
      %add3A_194 = arith.addi %iota3A, %add3A_193 : vector<16xi32>
      %jit3A_195 = arith.constant 64 : i32
      %broadcast_in_dim3A_196 = vector.broadcast %jit3A_195 : i32 to vector<16xi32>
      %select_n3A_197 = arith.select %eq3A_191, %add3A_194, %broadcast_in_dim3A_196 : vector<16xi1>, vector<16xi32>
      %min3A_198 = arith.minsi %min3A_190, %select_n3A_197 : vector<16xi32>
      %eq3A_199 = arith.cmpf oeq, %select_n3A_135, %max3A_180 : vector<16xf32>
      %add3A_200 = arith.constant 32 : i32
      %add3A_201 = vector.broadcast %add3A_200 : i32 to vector<16xi32>
      %add3A_202 = arith.addi %iota3A, %add3A_201 : vector<16xi32>
      %jit3A_203 = arith.constant 64 : i32
      %broadcast_in_dim3A_204 = vector.broadcast %jit3A_203 : i32 to vector<16xi32>
      %select_n3A_205 = arith.select %eq3A_199, %add3A_202, %broadcast_in_dim3A_204 : vector<16xi1>, vector<16xi32>
      %min3A_206 = arith.minsi %min3A_198, %select_n3A_205 : vector<16xi32>
      %eq3A_207 = arith.cmpf oeq, %select_n3A_142, %max3A_180 : vector<16xf32>
      %add3A_208 = arith.constant 48 : i32
      %add3A_209 = vector.broadcast %add3A_208 : i32 to vector<16xi32>
      %add3A_210 = arith.addi %iota3A, %add3A_209 : vector<16xi32>
      %jit3A_211 = arith.constant 64 : i32
      %broadcast_in_dim3A_212 = vector.broadcast %jit3A_211 : i32 to vector<16xi32>
      %select_n3A_213 = arith.select %eq3A_207, %add3A_210, %broadcast_in_dim3A_212 : vector<16xi1>, vector<16xi32>
      %min3A_214 = arith.minsi %min3A_206, %select_n3A_213 : vector<16xi32>
      %broadcast_in_dim3A_215 = vector.shape_cast %xor3A_5 : vector<16xi32> to vector<16x1xi32>
      %gather3A_216 = vector.shape_cast %broadcast_in_dim3A_215 : vector<16x1xi32> to vector<16xi32>
      %gather3A_217 = tpu.dynamic_gather %min3A_214[%gather3A_216] in [0] : vector<16xi32>, vector<16xi32> -> vector<16xi32>
      %min3A_218 = arith.minsi %min3A_214, %gather3A_217 : vector<16xi32>
      %broadcast_in_dim3A_219 = vector.shape_cast %xor3A_9 : vector<16xi32> to vector<16x1xi32>
      %gather3A_220 = vector.shape_cast %broadcast_in_dim3A_219 : vector<16x1xi32> to vector<16xi32>
      %gather3A_221 = tpu.dynamic_gather %min3A_218[%gather3A_220] in [0] : vector<16xi32>, vector<16xi32> -> vector<16xi32>
      %min3A_222 = arith.minsi %min3A_218, %gather3A_221 : vector<16xi32>
      %broadcast_in_dim3A_223 = vector.shape_cast %xor3A_13 : vector<16xi32> to vector<16x1xi32>
      %gather3A_224 = vector.shape_cast %broadcast_in_dim3A_223 : vector<16x1xi32> to vector<16xi32>
      %gather3A_225 = tpu.dynamic_gather %min3A_222[%gather3A_224] in [0] : vector<16xi32>, vector<16xi32> -> vector<16xi32>
      %min3A_226 = arith.minsi %min3A_222, %gather3A_225 : vector<16xi32>
      %broadcast_in_dim3A_227 = vector.shape_cast %xor3A_17 : vector<16xi32> to vector<16x1xi32>
      %gather3A_228 = vector.shape_cast %broadcast_in_dim3A_227 : vector<16x1xi32> to vector<16xi32>
      %gather3A_229 = tpu.dynamic_gather %min3A_226[%gather3A_228] in [0] : vector<16xi32>, vector<16xi32> -> vector<16xi32>
      %min3A_230 = arith.minsi %min3A_226, %gather3A_229 : vector<16xi32>
      %add3A_231 = arith.constant 0 : i32
      %add3A_232 = vector.broadcast %add3A_231 : i32 to vector<16xi32>
      %add3A_233 = arith.addi %iota3A, %add3A_232 : vector<16xi32>
      %eq3A_234 = arith.cmpi eq, %add3A_233, %min3A_230 : vector<16xi32>
      %select_n3A_235 = arith.select %eq3A_234, %max3A_180, %select_n3A_119 : vector<16xi1>, vector<16xf32>
      %broadcast_in_dim3A_236 = vector.broadcast %scan3A : f32 to vector<16xf32>
      %select_n3A_237 = arith.select %eq3A_234, %broadcast_in_dim3A_236, %select_n3A_121 : vector<16xi1>, vector<16xf32>
      %add3A_238 = arith.constant 16 : i32
      %add3A_239 = vector.broadcast %add3A_238 : i32 to vector<16xi32>
      %add3A_240 = arith.addi %iota3A, %add3A_239 : vector<16xi32>
      %eq3A_241 = arith.cmpi eq, %add3A_240, %min3A_230 : vector<16xi32>
      %select_n3A_242 = arith.select %eq3A_241, %max3A_180, %select_n3A_126 : vector<16xi1>, vector<16xf32>
      %broadcast_in_dim3A_243 = vector.broadcast %scan3A : f32 to vector<16xf32>
      %select_n3A_244 = arith.select %eq3A_241, %broadcast_in_dim3A_243, %select_n3A_128 : vector<16xi1>, vector<16xf32>
      %add3A_245 = arith.constant 32 : i32
      %add3A_246 = vector.broadcast %add3A_245 : i32 to vector<16xi32>
      %add3A_247 = arith.addi %iota3A, %add3A_246 : vector<16xi32>
      %eq3A_248 = arith.cmpi eq, %add3A_247, %min3A_230 : vector<16xi32>
      %select_n3A_249 = arith.select %eq3A_248, %max3A_180, %select_n3A_133 : vector<16xi1>, vector<16xf32>
      %broadcast_in_dim3A_250 = vector.broadcast %scan3A : f32 to vector<16xf32>
      %select_n3A_251 = arith.select %eq3A_248, %broadcast_in_dim3A_250, %select_n3A_135 : vector<16xi1>, vector<16xf32>
      %add3A_252 = arith.constant 48 : i32
      %add3A_253 = vector.broadcast %add3A_252 : i32 to vector<16xi32>
      %add3A_254 = arith.addi %iota3A, %add3A_253 : vector<16xi32>
      %eq3A_255 = arith.cmpi eq, %add3A_254, %min3A_230 : vector<16xi32>
      %select_n3A_256 = arith.select %eq3A_255, %max3A_180, %select_n3A_140 : vector<16xi1>, vector<16xf32>
      %broadcast_in_dim3A_257 = vector.broadcast %scan3A : f32 to vector<16xf32>
      %select_n3A_258 = arith.select %eq3A_255, %broadcast_in_dim3A_257, %select_n3A_142 : vector<16xi1>, vector<16xf32>
      %jit3A_259 = arith.constant 4 : i32
      %eq3A_260 = arith.constant 0 : i32
      %eq3A_261 = arith.cmpi eq, %jit3A_259, %eq3A_260 : i32
      %jit3A_262 = arith.constant 1 : i32
      %select_n3A_263 = arith.select %eq3A_261, %jit3A_262, %jit3A_259 : i32
      %rem3A_264 = arith.remsi %scan3A_27, %select_n3A_263 : i32
      %ne3A_265 = arith.constant 0 : i32
      %ne3A_266 = arith.cmpi ne, %rem3A_264, %ne3A_265 : i32
      %lt3A_267 = arith.constant 0 : i32
      %lt3A_268 = arith.cmpi slt, %rem3A_264, %lt3A_267 : i32
      %lt3A_269 = arith.constant 0 : i32
      %lt3A_270 = arith.cmpi slt, %select_n3A_263, %lt3A_269 : i32
      %ne3A_271 = arith.xori %lt3A_268, %lt3A_270 : i1
      %and3A_272 = arith.andi %ne3A_271, %ne3A_266 : i1
      %add3A_273 = arith.addi %rem3A_264, %select_n3A_263 : i32
      %select_n3A_274 = arith.select %and3A_272, %add3A_273, %rem3A_264 : i32
      %mul3A_275 = arith.constant 4 : i32
      %mul3A_276 = arith.muli %select_n3A_274, %mul3A_275 : i32
      %add3A_277 = arith.constant 1 : i32
      %add3A_278 = arith.addi %mul3A_276, %add3A_277 : i32
      %eq3A_279 = vector.broadcast %add3A_278 : i32 to vector<16xi32>
      %eq3A_280 = arith.cmpi eq, %iota3A, %eq3A_279 : vector<16xi32>
      %select_n3A_281 = arith.select %eq3A_280, %min3A_230, %select_n3A_161 : vector<16xi1>, vector<16xi32>
      %max3A_282 = arith.maximumf %select_n3A_237, %select_n3A_244 : vector<16xf32>
      %max3A_283 = arith.maximumf %select_n3A_251, %select_n3A_258 : vector<16xf32>
      %max3A_284 = arith.maximumf %max3A_282, %max3A_283 : vector<16xf32>
      %broadcast_in_dim3A_285 = vector.shape_cast %xor3A_5 : vector<16xi32> to vector<16x1xi32>
      %gather3A_286 = vector.shape_cast %broadcast_in_dim3A_285 : vector<16x1xi32> to vector<16xi32>
      %gather3A_287 = tpu.dynamic_gather %max3A_284[%gather3A_286] in [0] : vector<16xf32>, vector<16xi32> -> vector<16xf32>
      %max3A_288 = arith.maximumf %max3A_284, %gather3A_287 : vector<16xf32>
      %broadcast_in_dim3A_289 = vector.shape_cast %xor3A_9 : vector<16xi32> to vector<16x1xi32>
      %gather3A_290 = vector.shape_cast %broadcast_in_dim3A_289 : vector<16x1xi32> to vector<16xi32>
      %gather3A_291 = tpu.dynamic_gather %max3A_288[%gather3A_290] in [0] : vector<16xf32>, vector<16xi32> -> vector<16xf32>
      %max3A_292 = arith.maximumf %max3A_288, %gather3A_291 : vector<16xf32>
      %broadcast_in_dim3A_293 = vector.shape_cast %xor3A_13 : vector<16xi32> to vector<16x1xi32>
      %gather3A_294 = vector.shape_cast %broadcast_in_dim3A_293 : vector<16x1xi32> to vector<16xi32>
      %gather3A_295 = tpu.dynamic_gather %max3A_292[%gather3A_294] in [0] : vector<16xf32>, vector<16xi32> -> vector<16xf32>
      %max3A_296 = arith.maximumf %max3A_292, %gather3A_295 : vector<16xf32>
      %broadcast_in_dim3A_297 = vector.shape_cast %xor3A_17 : vector<16xi32> to vector<16x1xi32>
      %gather3A_298 = vector.shape_cast %broadcast_in_dim3A_297 : vector<16x1xi32> to vector<16xi32>
      %gather3A_299 = tpu.dynamic_gather %max3A_296[%gather3A_298] in [0] : vector<16xf32>, vector<16xi32> -> vector<16xf32>
      %max3A_300 = arith.maximumf %max3A_296, %gather3A_299 : vector<16xf32>
      %broadcast_in_dim3A_301 = arith.constant 64 : i32
      %broadcast_in_dim3A_302 = vector.broadcast %broadcast_in_dim3A_301 : i32 to vector<16xi32>
      %eq3A_303 = arith.cmpf oeq, %select_n3A_237, %max3A_300 : vector<16xf32>
      %add3A_304 = arith.constant 0 : i32
      %add3A_305 = vector.broadcast %add3A_304 : i32 to vector<16xi32>
      %add3A_306 = arith.addi %iota3A, %add3A_305 : vector<16xi32>
      %jit3A_307 = arith.constant 64 : i32
      %broadcast_in_dim3A_308 = vector.broadcast %jit3A_307 : i32 to vector<16xi32>
      %select_n3A_309 = arith.select %eq3A_303, %add3A_306, %broadcast_in_dim3A_308 : vector<16xi1>, vector<16xi32>
      %min3A_310 = arith.minsi %broadcast_in_dim3A_302, %select_n3A_309 : vector<16xi32>
      %eq3A_311 = arith.cmpf oeq, %select_n3A_244, %max3A_300 : vector<16xf32>
      %add3A_312 = arith.constant 16 : i32
      %add3A_313 = vector.broadcast %add3A_312 : i32 to vector<16xi32>
      %add3A_314 = arith.addi %iota3A, %add3A_313 : vector<16xi32>
      %jit3A_315 = arith.constant 64 : i32
      %broadcast_in_dim3A_316 = vector.broadcast %jit3A_315 : i32 to vector<16xi32>
      %select_n3A_317 = arith.select %eq3A_311, %add3A_314, %broadcast_in_dim3A_316 : vector<16xi1>, vector<16xi32>
      %min3A_318 = arith.minsi %min3A_310, %select_n3A_317 : vector<16xi32>
      %eq3A_319 = arith.cmpf oeq, %select_n3A_251, %max3A_300 : vector<16xf32>
      %add3A_320 = arith.constant 32 : i32
      %add3A_321 = vector.broadcast %add3A_320 : i32 to vector<16xi32>
      %add3A_322 = arith.addi %iota3A, %add3A_321 : vector<16xi32>
      %jit3A_323 = arith.constant 64 : i32
      %broadcast_in_dim3A_324 = vector.broadcast %jit3A_323 : i32 to vector<16xi32>
      %select_n3A_325 = arith.select %eq3A_319, %add3A_322, %broadcast_in_dim3A_324 : vector<16xi1>, vector<16xi32>
      %min3A_326 = arith.minsi %min3A_318, %select_n3A_325 : vector<16xi32>
      %eq3A_327 = arith.cmpf oeq, %select_n3A_258, %max3A_300 : vector<16xf32>
      %add3A_328 = arith.constant 48 : i32
      %add3A_329 = vector.broadcast %add3A_328 : i32 to vector<16xi32>
      %add3A_330 = arith.addi %iota3A, %add3A_329 : vector<16xi32>
      %jit3A_331 = arith.constant 64 : i32
      %broadcast_in_dim3A_332 = vector.broadcast %jit3A_331 : i32 to vector<16xi32>
      %select_n3A_333 = arith.select %eq3A_327, %add3A_330, %broadcast_in_dim3A_332 : vector<16xi1>, vector<16xi32>
      %min3A_334 = arith.minsi %min3A_326, %select_n3A_333 : vector<16xi32>
      %broadcast_in_dim3A_335 = vector.shape_cast %xor3A_5 : vector<16xi32> to vector<16x1xi32>
      %gather3A_336 = vector.shape_cast %broadcast_in_dim3A_335 : vector<16x1xi32> to vector<16xi32>
      %gather3A_337 = tpu.dynamic_gather %min3A_334[%gather3A_336] in [0] : vector<16xi32>, vector<16xi32> -> vector<16xi32>
      %min3A_338 = arith.minsi %min3A_334, %gather3A_337 : vector<16xi32>
      %broadcast_in_dim3A_339 = vector.shape_cast %xor3A_9 : vector<16xi32> to vector<16x1xi32>
      %gather3A_340 = vector.shape_cast %broadcast_in_dim3A_339 : vector<16x1xi32> to vector<16xi32>
      %gather3A_341 = tpu.dynamic_gather %min3A_338[%gather3A_340] in [0] : vector<16xi32>, vector<16xi32> -> vector<16xi32>
      %min3A_342 = arith.minsi %min3A_338, %gather3A_341 : vector<16xi32>
      %broadcast_in_dim3A_343 = vector.shape_cast %xor3A_13 : vector<16xi32> to vector<16x1xi32>
      %gather3A_344 = vector.shape_cast %broadcast_in_dim3A_343 : vector<16x1xi32> to vector<16xi32>
      %gather3A_345 = tpu.dynamic_gather %min3A_342[%gather3A_344] in [0] : vector<16xi32>, vector<16xi32> -> vector<16xi32>
      %min3A_346 = arith.minsi %min3A_342, %gather3A_345 : vector<16xi32>
      %broadcast_in_dim3A_347 = vector.shape_cast %xor3A_17 : vector<16xi32> to vector<16x1xi32>
      %gather3A_348 = vector.shape_cast %broadcast_in_dim3A_347 : vector<16x1xi32> to vector<16xi32>
      %gather3A_349 = tpu.dynamic_gather %min3A_346[%gather3A_348] in [0] : vector<16xi32>, vector<16xi32> -> vector<16xi32>
      %min3A_350 = arith.minsi %min3A_346, %gather3A_349 : vector<16xi32>
      %add3A_351 = arith.constant 0 : i32
      %add3A_352 = vector.broadcast %add3A_351 : i32 to vector<16xi32>
      %add3A_353 = arith.addi %iota3A, %add3A_352 : vector<16xi32>
      %eq3A_354 = arith.cmpi eq, %add3A_353, %min3A_350 : vector<16xi32>
      %select_n3A_355 = arith.select %eq3A_354, %max3A_300, %select_n3A_235 : vector<16xi1>, vector<16xf32>
      %broadcast_in_dim3A_356 = vector.broadcast %scan3A : f32 to vector<16xf32>
      %select_n3A_357 = arith.select %eq3A_354, %broadcast_in_dim3A_356, %select_n3A_237 : vector<16xi1>, vector<16xf32>
      %add3A_358 = arith.constant 16 : i32
      %add3A_359 = vector.broadcast %add3A_358 : i32 to vector<16xi32>
      %add3A_360 = arith.addi %iota3A, %add3A_359 : vector<16xi32>
      %eq3A_361 = arith.cmpi eq, %add3A_360, %min3A_350 : vector<16xi32>
      %select_n3A_362 = arith.select %eq3A_361, %max3A_300, %select_n3A_242 : vector<16xi1>, vector<16xf32>
      %broadcast_in_dim3A_363 = vector.broadcast %scan3A : f32 to vector<16xf32>
      %select_n3A_364 = arith.select %eq3A_361, %broadcast_in_dim3A_363, %select_n3A_244 : vector<16xi1>, vector<16xf32>
      %add3A_365 = arith.constant 32 : i32
      %add3A_366 = vector.broadcast %add3A_365 : i32 to vector<16xi32>
      %add3A_367 = arith.addi %iota3A, %add3A_366 : vector<16xi32>
      %eq3A_368 = arith.cmpi eq, %add3A_367, %min3A_350 : vector<16xi32>
      %select_n3A_369 = arith.select %eq3A_368, %max3A_300, %select_n3A_249 : vector<16xi1>, vector<16xf32>
      %broadcast_in_dim3A_370 = vector.broadcast %scan3A : f32 to vector<16xf32>
      %select_n3A_371 = arith.select %eq3A_368, %broadcast_in_dim3A_370, %select_n3A_251 : vector<16xi1>, vector<16xf32>
      %add3A_372 = arith.constant 48 : i32
      %add3A_373 = vector.broadcast %add3A_372 : i32 to vector<16xi32>
      %add3A_374 = arith.addi %iota3A, %add3A_373 : vector<16xi32>
      %eq3A_375 = arith.cmpi eq, %add3A_374, %min3A_350 : vector<16xi32>
      %select_n3A_376 = arith.select %eq3A_375, %max3A_300, %select_n3A_256 : vector<16xi1>, vector<16xf32>
      %broadcast_in_dim3A_377 = vector.broadcast %scan3A : f32 to vector<16xf32>
      %select_n3A_378 = arith.select %eq3A_375, %broadcast_in_dim3A_377, %select_n3A_258 : vector<16xi1>, vector<16xf32>
      %jit3A_379 = arith.constant 4 : i32
      %eq3A_380 = arith.constant 0 : i32
      %eq3A_381 = arith.cmpi eq, %jit3A_379, %eq3A_380 : i32
      %jit3A_382 = arith.constant 1 : i32
      %select_n3A_383 = arith.select %eq3A_381, %jit3A_382, %jit3A_379 : i32
      %rem3A_384 = arith.remsi %scan3A_27, %select_n3A_383 : i32
      %ne3A_385 = arith.constant 0 : i32
      %ne3A_386 = arith.cmpi ne, %rem3A_384, %ne3A_385 : i32
      %lt3A_387 = arith.constant 0 : i32
      %lt3A_388 = arith.cmpi slt, %rem3A_384, %lt3A_387 : i32
      %lt3A_389 = arith.constant 0 : i32
      %lt3A_390 = arith.cmpi slt, %select_n3A_383, %lt3A_389 : i32
      %ne3A_391 = arith.xori %lt3A_388, %lt3A_390 : i1
      %and3A_392 = arith.andi %ne3A_391, %ne3A_386 : i1
      %add3A_393 = arith.addi %rem3A_384, %select_n3A_383 : i32
      %select_n3A_394 = arith.select %and3A_392, %add3A_393, %rem3A_384 : i32
      %mul3A_395 = arith.constant 4 : i32
      %mul3A_396 = arith.muli %select_n3A_394, %mul3A_395 : i32
      %add3A_397 = arith.constant 2 : i32
      %add3A_398 = arith.addi %mul3A_396, %add3A_397 : i32
      %eq3A_399 = vector.broadcast %add3A_398 : i32 to vector<16xi32>
      %eq3A_400 = arith.cmpi eq, %iota3A, %eq3A_399 : vector<16xi32>
      %select_n3A_401 = arith.select %eq3A_400, %min3A_350, %select_n3A_281 : vector<16xi1>, vector<16xi32>
      %max3A_402 = arith.maximumf %select_n3A_357, %select_n3A_364 : vector<16xf32>
      %max3A_403 = arith.maximumf %select_n3A_371, %select_n3A_378 : vector<16xf32>
      %max3A_404 = arith.maximumf %max3A_402, %max3A_403 : vector<16xf32>
      %broadcast_in_dim3A_405 = vector.shape_cast %xor3A_5 : vector<16xi32> to vector<16x1xi32>
      %gather3A_406 = vector.shape_cast %broadcast_in_dim3A_405 : vector<16x1xi32> to vector<16xi32>
      %gather3A_407 = tpu.dynamic_gather %max3A_404[%gather3A_406] in [0] : vector<16xf32>, vector<16xi32> -> vector<16xf32>
      %max3A_408 = arith.maximumf %max3A_404, %gather3A_407 : vector<16xf32>
      %broadcast_in_dim3A_409 = vector.shape_cast %xor3A_9 : vector<16xi32> to vector<16x1xi32>
      %gather3A_410 = vector.shape_cast %broadcast_in_dim3A_409 : vector<16x1xi32> to vector<16xi32>
      %gather3A_411 = tpu.dynamic_gather %max3A_408[%gather3A_410] in [0] : vector<16xf32>, vector<16xi32> -> vector<16xf32>
      %max3A_412 = arith.maximumf %max3A_408, %gather3A_411 : vector<16xf32>
      %broadcast_in_dim3A_413 = vector.shape_cast %xor3A_13 : vector<16xi32> to vector<16x1xi32>
      %gather3A_414 = vector.shape_cast %broadcast_in_dim3A_413 : vector<16x1xi32> to vector<16xi32>
      %gather3A_415 = tpu.dynamic_gather %max3A_412[%gather3A_414] in [0] : vector<16xf32>, vector<16xi32> -> vector<16xf32>
      %max3A_416 = arith.maximumf %max3A_412, %gather3A_415 : vector<16xf32>
      %broadcast_in_dim3A_417 = vector.shape_cast %xor3A_17 : vector<16xi32> to vector<16x1xi32>
      %gather3A_418 = vector.shape_cast %broadcast_in_dim3A_417 : vector<16x1xi32> to vector<16xi32>
      %gather3A_419 = tpu.dynamic_gather %max3A_416[%gather3A_418] in [0] : vector<16xf32>, vector<16xi32> -> vector<16xf32>
      %max3A_420 = arith.maximumf %max3A_416, %gather3A_419 : vector<16xf32>
      %broadcast_in_dim3A_421 = arith.constant 64 : i32
      %broadcast_in_dim3A_422 = vector.broadcast %broadcast_in_dim3A_421 : i32 to vector<16xi32>
      %eq3A_423 = arith.cmpf oeq, %select_n3A_357, %max3A_420 : vector<16xf32>
      %add3A_424 = arith.constant 0 : i32
      %add3A_425 = vector.broadcast %add3A_424 : i32 to vector<16xi32>
      %add3A_426 = arith.addi %iota3A, %add3A_425 : vector<16xi32>
      %jit3A_427 = arith.constant 64 : i32
      %broadcast_in_dim3A_428 = vector.broadcast %jit3A_427 : i32 to vector<16xi32>
      %select_n3A_429 = arith.select %eq3A_423, %add3A_426, %broadcast_in_dim3A_428 : vector<16xi1>, vector<16xi32>
      %min3A_430 = arith.minsi %broadcast_in_dim3A_422, %select_n3A_429 : vector<16xi32>
      %eq3A_431 = arith.cmpf oeq, %select_n3A_364, %max3A_420 : vector<16xf32>
      %add3A_432 = arith.constant 16 : i32
      %add3A_433 = vector.broadcast %add3A_432 : i32 to vector<16xi32>
      %add3A_434 = arith.addi %iota3A, %add3A_433 : vector<16xi32>
      %jit3A_435 = arith.constant 64 : i32
      %broadcast_in_dim3A_436 = vector.broadcast %jit3A_435 : i32 to vector<16xi32>
      %select_n3A_437 = arith.select %eq3A_431, %add3A_434, %broadcast_in_dim3A_436 : vector<16xi1>, vector<16xi32>
      %min3A_438 = arith.minsi %min3A_430, %select_n3A_437 : vector<16xi32>
      %eq3A_439 = arith.cmpf oeq, %select_n3A_371, %max3A_420 : vector<16xf32>
      %add3A_440 = arith.constant 32 : i32
      %add3A_441 = vector.broadcast %add3A_440 : i32 to vector<16xi32>
      %add3A_442 = arith.addi %iota3A, %add3A_441 : vector<16xi32>
      %jit3A_443 = arith.constant 64 : i32
      %broadcast_in_dim3A_444 = vector.broadcast %jit3A_443 : i32 to vector<16xi32>
      %select_n3A_445 = arith.select %eq3A_439, %add3A_442, %broadcast_in_dim3A_444 : vector<16xi1>, vector<16xi32>
      %min3A_446 = arith.minsi %min3A_438, %select_n3A_445 : vector<16xi32>
      %eq3A_447 = arith.cmpf oeq, %select_n3A_378, %max3A_420 : vector<16xf32>
      %add3A_448 = arith.constant 48 : i32
      %add3A_449 = vector.broadcast %add3A_448 : i32 to vector<16xi32>
      %add3A_450 = arith.addi %iota3A, %add3A_449 : vector<16xi32>
      %jit3A_451 = arith.constant 64 : i32
      %broadcast_in_dim3A_452 = vector.broadcast %jit3A_451 : i32 to vector<16xi32>
      %select_n3A_453 = arith.select %eq3A_447, %add3A_450, %broadcast_in_dim3A_452 : vector<16xi1>, vector<16xi32>
      %min3A_454 = arith.minsi %min3A_446, %select_n3A_453 : vector<16xi32>
      %broadcast_in_dim3A_455 = vector.shape_cast %xor3A_5 : vector<16xi32> to vector<16x1xi32>
      %gather3A_456 = vector.shape_cast %broadcast_in_dim3A_455 : vector<16x1xi32> to vector<16xi32>
      %gather3A_457 = tpu.dynamic_gather %min3A_454[%gather3A_456] in [0] : vector<16xi32>, vector<16xi32> -> vector<16xi32>
      %min3A_458 = arith.minsi %min3A_454, %gather3A_457 : vector<16xi32>
      %broadcast_in_dim3A_459 = vector.shape_cast %xor3A_9 : vector<16xi32> to vector<16x1xi32>
      %gather3A_460 = vector.shape_cast %broadcast_in_dim3A_459 : vector<16x1xi32> to vector<16xi32>
      %gather3A_461 = tpu.dynamic_gather %min3A_458[%gather3A_460] in [0] : vector<16xi32>, vector<16xi32> -> vector<16xi32>
      %min3A_462 = arith.minsi %min3A_458, %gather3A_461 : vector<16xi32>
      %broadcast_in_dim3A_463 = vector.shape_cast %xor3A_13 : vector<16xi32> to vector<16x1xi32>
      %gather3A_464 = vector.shape_cast %broadcast_in_dim3A_463 : vector<16x1xi32> to vector<16xi32>
      %gather3A_465 = tpu.dynamic_gather %min3A_462[%gather3A_464] in [0] : vector<16xi32>, vector<16xi32> -> vector<16xi32>
      %min3A_466 = arith.minsi %min3A_462, %gather3A_465 : vector<16xi32>
      %broadcast_in_dim3A_467 = vector.shape_cast %xor3A_17 : vector<16xi32> to vector<16x1xi32>
      %gather3A_468 = vector.shape_cast %broadcast_in_dim3A_467 : vector<16x1xi32> to vector<16xi32>
      %gather3A_469 = tpu.dynamic_gather %min3A_466[%gather3A_468] in [0] : vector<16xi32>, vector<16xi32> -> vector<16xi32>
      %min3A_470 = arith.minsi %min3A_466, %gather3A_469 : vector<16xi32>
      %add3A_471 = arith.constant 0 : i32
      %add3A_472 = vector.broadcast %add3A_471 : i32 to vector<16xi32>
      %add3A_473 = arith.addi %iota3A, %add3A_472 : vector<16xi32>
      %eq3A_474 = arith.cmpi eq, %add3A_473, %min3A_470 : vector<16xi32>
      %select_n3A_475 = arith.select %eq3A_474, %max3A_420, %select_n3A_355 : vector<16xi1>, vector<16xf32>
      %broadcast_in_dim3A_476 = vector.broadcast %scan3A : f32 to vector<16xf32>
      %select_n3A_477 = arith.select %eq3A_474, %broadcast_in_dim3A_476, %select_n3A_357 : vector<16xi1>, vector<16xf32>
      %add3A_478 = arith.constant 16 : i32
      %add3A_479 = vector.broadcast %add3A_478 : i32 to vector<16xi32>
      %add3A_480 = arith.addi %iota3A, %add3A_479 : vector<16xi32>
      %eq3A_481 = arith.cmpi eq, %add3A_480, %min3A_470 : vector<16xi32>
      %select_n3A_482 = arith.select %eq3A_481, %max3A_420, %select_n3A_362 : vector<16xi1>, vector<16xf32>
      %broadcast_in_dim3A_483 = vector.broadcast %scan3A : f32 to vector<16xf32>
      %select_n3A_484 = arith.select %eq3A_481, %broadcast_in_dim3A_483, %select_n3A_364 : vector<16xi1>, vector<16xf32>
      %add3A_485 = arith.constant 32 : i32
      %add3A_486 = vector.broadcast %add3A_485 : i32 to vector<16xi32>
      %add3A_487 = arith.addi %iota3A, %add3A_486 : vector<16xi32>
      %eq3A_488 = arith.cmpi eq, %add3A_487, %min3A_470 : vector<16xi32>
      %select_n3A_489 = arith.select %eq3A_488, %max3A_420, %select_n3A_369 : vector<16xi1>, vector<16xf32>
      %broadcast_in_dim3A_490 = vector.broadcast %scan3A : f32 to vector<16xf32>
      %select_n3A_491 = arith.select %eq3A_488, %broadcast_in_dim3A_490, %select_n3A_371 : vector<16xi1>, vector<16xf32>
      %add3A_492 = arith.constant 48 : i32
      %add3A_493 = vector.broadcast %add3A_492 : i32 to vector<16xi32>
      %add3A_494 = arith.addi %iota3A, %add3A_493 : vector<16xi32>
      %eq3A_495 = arith.cmpi eq, %add3A_494, %min3A_470 : vector<16xi32>
      %select_n3A_496 = arith.select %eq3A_495, %max3A_420, %select_n3A_376 : vector<16xi1>, vector<16xf32>
      %broadcast_in_dim3A_497 = vector.broadcast %scan3A : f32 to vector<16xf32>
      %select_n3A_498 = arith.select %eq3A_495, %broadcast_in_dim3A_497, %select_n3A_378 : vector<16xi1>, vector<16xf32>
      %jit3A_499 = arith.constant 4 : i32
      %eq3A_500 = arith.constant 0 : i32
      %eq3A_501 = arith.cmpi eq, %jit3A_499, %eq3A_500 : i32
      %jit3A_502 = arith.constant 1 : i32
      %select_n3A_503 = arith.select %eq3A_501, %jit3A_502, %jit3A_499 : i32
      %rem3A_504 = arith.remsi %scan3A_27, %select_n3A_503 : i32
      %ne3A_505 = arith.constant 0 : i32
      %ne3A_506 = arith.cmpi ne, %rem3A_504, %ne3A_505 : i32
      %lt3A_507 = arith.constant 0 : i32
      %lt3A_508 = arith.cmpi slt, %rem3A_504, %lt3A_507 : i32
      %lt3A_509 = arith.constant 0 : i32
      %lt3A_510 = arith.cmpi slt, %select_n3A_503, %lt3A_509 : i32
      %ne3A_511 = arith.xori %lt3A_508, %lt3A_510 : i1
      %and3A_512 = arith.andi %ne3A_511, %ne3A_506 : i1
      %add3A_513 = arith.addi %rem3A_504, %select_n3A_503 : i32
      %select_n3A_514 = arith.select %and3A_512, %add3A_513, %rem3A_504 : i32
      %mul3A_515 = arith.constant 4 : i32
      %mul3A_516 = arith.muli %select_n3A_514, %mul3A_515 : i32
      %add3A_517 = arith.constant 3 : i32
      %add3A_518 = arith.addi %mul3A_516, %add3A_517 : i32
      %eq3A_519 = vector.broadcast %add3A_518 : i32 to vector<16xi32>
      %eq3A_520 = arith.cmpi eq, %iota3A, %eq3A_519 : vector<16xi32>
      %select_n3A_521 = arith.select %eq3A_520, %min3A_470, %select_n3A_401 : vector<16xi1>, vector<16xi32>
      %swap3A = arith.index_cast %scan3A_27 : i32 to index
      %swap3A_522 = arith.constant 0 : index
      %swap3A_523 = tpu.vector_load %arg5[%swap3A, %swap3A_522] {strides = array<i32>} : memref<256x64xf32, #tpu.memory_space<vmem>>, vector<1x16xf32>,
      %swap3A_524 = vector.shape_cast %swap3A_523 : vector<1x16xf32> to vector<16xf32>
      %swap3A_525 = vector.shape_cast %select_n3A_475 : vector<16xf32> to vector<1x16xf32>
      tpu.vector_store %arg5[%swap3A, %swap3A_522], %swap3A_525 {strides = array<i32>} : memref<256x64xf32, #tpu.memory_space<vmem>>, vector<1x16xf32>,
      %swap3A_526 = arith.index_cast %scan3A_27 : i32 to index
      %swap3A_527 = arith.constant 16 : index
      %swap3A_528 = tpu.vector_load %arg5[%swap3A_526, %swap3A_527] {strides = array<i32>} : memref<256x64xf32, #tpu.memory_space<vmem>>, vector<1x16xf32>,
      %swap3A_529 = vector.shape_cast %swap3A_528 : vector<1x16xf32> to vector<16xf32>
      %swap3A_530 = vector.shape_cast %select_n3A_482 : vector<16xf32> to vector<1x16xf32>
      tpu.vector_store %arg5[%swap3A_526, %swap3A_527], %swap3A_530 {strides = array<i32>} : memref<256x64xf32, #tpu.memory_space<vmem>>, vector<1x16xf32>,
      %swap3A_531 = arith.index_cast %scan3A_27 : i32 to index
      %swap3A_532 = arith.constant 32 : index
      %swap3A_533 = tpu.vector_load %arg5[%swap3A_531, %swap3A_532] {strides = array<i32>} : memref<256x64xf32, #tpu.memory_space<vmem>>, vector<1x16xf32>,
      %swap3A_534 = vector.shape_cast %swap3A_533 : vector<1x16xf32> to vector<16xf32>
      %swap3A_535 = vector.shape_cast %select_n3A_489 : vector<16xf32> to vector<1x16xf32>
      tpu.vector_store %arg5[%swap3A_531, %swap3A_532], %swap3A_535 {strides = array<i32>} : memref<256x64xf32, #tpu.memory_space<vmem>>, vector<1x16xf32>,
      %swap3A_536 = arith.index_cast %scan3A_27 : i32 to index
      %swap3A_537 = arith.constant 48 : index
      %swap3A_538 = tpu.vector_load %arg5[%swap3A_536, %swap3A_537] {strides = array<i32>} : memref<256x64xf32, #tpu.memory_space<vmem>>, vector<1x16xf32>,
      %swap3A_539 = vector.shape_cast %swap3A_538 : vector<1x16xf32> to vector<16xf32>
      %swap3A_540 = vector.shape_cast %select_n3A_496 : vector<16xf32> to vector<1x16xf32>
      tpu.vector_store %arg5[%swap3A_536, %swap3A_537], %swap3A_540 {strides = array<i32>} : memref<256x64xf32, #tpu.memory_space<vmem>>, vector<1x16xf32>,
      %jit3A_541 = arith.constant 4 : i32
      %eq3A_542 = arith.constant 0 : i32
      %eq3A_543 = arith.cmpi eq, %jit3A_541, %eq3A_542 : i32
      %jit3A_544 = arith.constant 1 : i32
      %select_n3A_545 = arith.select %eq3A_543, %jit3A_544, %jit3A_541 : i32
      %rem3A_546 = arith.remsi %scan3A_27, %select_n3A_545 : i32
      %ne3A_547 = arith.constant 0 : i32
      %ne3A_548 = arith.cmpi ne, %rem3A_546, %ne3A_547 : i32
      %lt3A_549 = arith.constant 0 : i32
      %lt3A_550 = arith.cmpi slt, %rem3A_546, %lt3A_549 : i32
      %lt3A_551 = arith.constant 0 : i32
      %lt3A_552 = arith.cmpi slt, %select_n3A_545, %lt3A_551 : i32
      %ne3A_553 = arith.xori %lt3A_550, %lt3A_552 : i1
      %and3A_554 = arith.andi %ne3A_553, %ne3A_548 : i1
      %add3A_555 = arith.addi %rem3A_546, %select_n3A_545 : i32
      %select_n3A_556 = arith.select %and3A_554, %add3A_555, %rem3A_546 : i32
      %eq3A_557 = arith.constant 3 : i32
      %eq3A_558 = arith.cmpi eq, %select_n3A_556, %eq3A_557 : i32
      %convert_element_type3A = arith.extui %eq3A_558 : i1 to i32
      %cond3A = arith.constant 0 : i32
      %cond3A_559 = arith.cmpi ne, %convert_element_type3A, %cond3A : i32
      scf.if %cond3A_559 {
        %jit3A_560 = arith.constant 4 : i32
        %div3A = arith.divsi %scan3A_27, %jit3A_560 : i32
        %sign3A = arith.constant 0 : i32
        %sign3A_561 = arith.cmpi sgt, %scan3A_27, %sign3A : i32
        %sign3A_562 = arith.extui %sign3A_561 : i1 to i32
        %sign3A_563 = arith.constant 0 : i32
        %sign3A_564 = arith.cmpi slt, %scan3A_27, %sign3A_563 : i32
        %sign3A_565 = arith.extui %sign3A_564 : i1 to i32
        %sign3A_566 = arith.subi %sign3A_562, %sign3A_565 : i32
        %sign3A_567 = arith.constant 0 : i32
        %sign3A_568 = arith.cmpi sgt, %jit3A_560, %sign3A_567 : i32
        %sign3A_569 = arith.extui %sign3A_568 : i1 to i32
        %sign3A_570 = arith.constant 0 : i32
        %sign3A_571 = arith.cmpi slt, %jit3A_560, %sign3A_570 : i32
        %sign3A_572 = arith.extui %sign3A_571 : i1 to i32
        %sign3A_573 = arith.subi %sign3A_569, %sign3A_572 : i32
        %ne3A_574 = arith.cmpi ne, %sign3A_566, %sign3A_573 : i32
        %rem3A_575 = arith.remsi %scan3A_27, %jit3A_560 : i32
        %ne3A_576 = arith.constant 0 : i32
        %ne3A_577 = arith.cmpi ne, %rem3A_575, %ne3A_576 : i32
        %and3A_578 = arith.andi %ne3A_574, %ne3A_577 : i1
        %sub3A = arith.constant 1 : i32
        %sub3A_579 = arith.subi %div3A, %sub3A : i32
        %select_n3A_580 = arith.select %and3A_578, %sub3A_579, %div3A : i32
        %mul3A_581 = arith.constant 16 : i32
        %mul3A_582 = arith.muli %select_n3A_580, %mul3A_581 : i32
        %swap3A_583 = arith.index_cast %mul3A_582 : i32 to index
        %swap3A_584 = tpu.vector_load %arg6[%swap3A_583] {strides = array<i32>} : memref<1024xi32, #tpu.memory_space<vmem>>, vector<16xi32>,
        %swap3A_585 = vector.shape_cast %swap3A_584 : vector<16xi32> to vector<16xi32>
        %swap3A_586 = vector.shape_cast %select_n3A_521 : vector<16xi32> to vector<16xi32>
        tpu.vector_store %arg6[%swap3A_583], %swap3A_586 {strides = array<i32>} : memref<1024xi32, #tpu.memory_space<vmem>>, vector<16xi32>,
      } else {
      }
      scf.yield %select_n3A_521 : vector<16xi32>
    }
    %scan3A_24 = arith.constant 256 : i32
    "tpu.region"() ({
      %run_scoped3A = tpu.sem_alloc : memref<!tpu.dma_semaphore, #tpu.memory_space<semaphore_mem>>
      %dma_start3A = arith.constant 0 : i32
      %dma_start3A_27 = tpu.memref_slice %arg3[%mul3A_2, %dma_start3A] : memref<8192x64xf32, #tpu.memory_space<hbm>> -> memref<256x64xf32, #tpu.memory_space<hbm>>
      %dma_start3A_28 = arith.constant 0 : i32
      %dma_start3A_29 = tpu.memref_slice %arg3[%mul3A_2, %dma_start3A_28] : memref<8192x64xf32, #tpu.memory_space<hbm>> -> memref<256x64xf32, #tpu.memory_space<hbm>>
      tpu.enqueue_dma source(%arg5 : memref<256x64xf32, #tpu.memory_space<vmem>>) target(%dma_start3A_29 : memref<256x64xf32, #tpu.memory_space<hbm>>) target_semaphore(%run_scoped3A : memref<!tpu.dma_semaphore, #tpu.memory_space<semaphore_mem>>)
      %dma_wait3A = arith.constant 0 : i32
      %dma_wait3A_30 = tpu.memref_slice %arg3[%mul3A_2, %dma_wait3A] : memref<8192x64xf32, #tpu.memory_space<hbm>> -> memref<256x64xf32, #tpu.memory_space<hbm>>
      %dma_wait3A_31 = arith.constant 0 : i32
      %dma_wait3A_32 = tpu.memref_slice %arg3[%mul3A_2, %dma_wait3A_31] : memref<8192x64xf32, #tpu.memory_space<hbm>> -> memref<256x64xf32, #tpu.memory_space<hbm>>
      tpu.wait_dma2 semaphore(%run_scoped3A : memref<!tpu.dma_semaphore, #tpu.memory_space<semaphore_mem>>) src(%arg5 : memref<256x64xf32, #tpu.memory_space<vmem>>) dst(%dma_wait3A_32 : memref<256x64xf32, #tpu.memory_space<hbm>>)
      tpu.yield
    }) : () -> ()
    %mul3A_25 = arith.constant 4 : i32
    %mul3A_26 = arith.muli %mul3A_2, %mul3A_25 : i32
    "tpu.region"() ({
      %run_scoped3A = tpu.sem_alloc : memref<!tpu.dma_semaphore, #tpu.memory_space<semaphore_mem>>
      %dma_start3A = tpu.memref_slice %arg4[%mul3A_26] : memref<32768xi32, #tpu.memory_space<hbm>> -> memref<1024xi32, #tpu.memory_space<hbm>>
      %dma_start3A_27 = tpu.memref_slice %arg4[%mul3A_26] : memref<32768xi32, #tpu.memory_space<hbm>> -> memref<1024xi32, #tpu.memory_space<hbm>>
      tpu.enqueue_dma source(%arg6 : memref<1024xi32, #tpu.memory_space<vmem>>) target(%dma_start3A_27 : memref<1024xi32, #tpu.memory_space<hbm>>) target_semaphore(%run_scoped3A : memref<!tpu.dma_semaphore, #tpu.memory_space<semaphore_mem>>)
      %dma_wait3A = tpu.memref_slice %arg4[%mul3A_26] : memref<32768xi32, #tpu.memory_space<hbm>> -> memref<1024xi32, #tpu.memory_space<hbm>>
      %dma_wait3A_28 = tpu.memref_slice %arg4[%mul3A_26] : memref<32768xi32, #tpu.memory_space<hbm>> -> memref<1024xi32, #tpu.memory_space<hbm>>
      tpu.wait_dma2 semaphore(%run_scoped3A : memref<!tpu.dma_semaphore, #tpu.memory_space<semaphore_mem>>) src(%arg6 : memref<1024xi32, #tpu.memory_space<vmem>>) dst(%dma_wait3A_28 : memref<1024xi32, #tpu.memory_space<hbm>>)
      tpu.yield
    }) : () -> ()
    return
  }
}

#map = affine_map<(d0, d1) -> (0, 0)>
#map1 = affine_map<(d0, d1) -> (0)>
module attributes {stable_mosaic.version = 14 : i64} {
  func.func @_sc_topk_body(%arg0: i32, %arg1: i32, %arg2: memref<8192x64xf32, #tpu.memory_space<hbm>>, %arg3: memref<8192x64xf32, #tpu.memory_space<hbm>>, %arg4: memref<32768xi32, #tpu.memory_space<hbm>>, %arg5: memref<256x64xf32, #tpu.memory_space<vmem>>, %arg6: memref<1024xi32, #tpu.memory_space<vmem>>) attributes {dimension_semantics = [#tpu.dimension_semantics<core_parallel>, #tpu.dimension_semantics<subcore_parallel>], iteration_bounds = array<i64: 2, 16>, scalar_prefetch = 0 : i64, scratch_operands = 2 : i64, tpu.core_type = #tpu.core_type<sc_vector_subcore>, window_params = [{transform_indices = #map}, {transform_indices = #map}, {transform_indices = #map1}]} {
    %mul3A = arith.constant 2 : i32
    %mul3A_0 = arith.muli %arg1, %mul3A : i32
    %add3A = arith.addi %mul3A_0, %arg0 : i32
    %mul3A_1 = arith.constant 256 : i32
    %mul3A_2 = arith.muli %add3A, %mul3A_1 : i32
    "tpu.region"() ({
      %run_scoped3A = tpu.sem_alloc : memref<!tpu.dma_semaphore, #tpu.memory_space<semaphore_mem>>
      %dma_start3A = arith.constant 0 : i32
      %dma_start3A_27 = tpu.memref_slice %arg2[%mul3A_2, %dma_start3A] : memref<8192x64xf32, #tpu.memory_space<hbm>> -> memref<256x64xf32, #tpu.memory_space<hbm>>
      %dma_start3A_28 = arith.constant 0 : i32
      %dma_start3A_29 = tpu.memref_slice %arg2[%mul3A_2, %dma_start3A_28] : memref<8192x64xf32, #tpu.memory_space<hbm>> -> memref<256x64xf32, #tpu.memory_space<hbm>>
      tpu.enqueue_dma source(%dma_start3A_29 : memref<256x64xf32, #tpu.memory_space<hbm>>) target(%arg5 : memref<256x64xf32, #tpu.memory_space<vmem>>) target_semaphore(%run_scoped3A : memref<!tpu.dma_semaphore, #tpu.memory_space<semaphore_mem>>)
      %dma_wait3A = arith.constant 0 : i32
      %dma_wait3A_30 = tpu.memref_slice %arg2[%mul3A_2, %dma_wait3A] : memref<8192x64xf32, #tpu.memory_space<hbm>> -> memref<256x64xf32, #tpu.memory_space<hbm>>
      %dma_wait3A_31 = arith.constant 0 : i32
      %dma_wait3A_32 = tpu.memref_slice %arg2[%mul3A_2, %dma_wait3A_31] : memref<8192x64xf32, #tpu.memory_space<hbm>> -> memref<256x64xf32, #tpu.memory_space<hbm>>
      tpu.wait_dma2 semaphore(%run_scoped3A : memref<!tpu.dma_semaphore, #tpu.memory_space<semaphore_mem>>) src(%dma_wait3A_32 : memref<256x64xf32, #tpu.memory_space<hbm>>) dst(%arg5 : memref<256x64xf32, #tpu.memory_space<vmem>>)
      tpu.yield
    }) : () -> ()
    %iota3A = tpu.iota {dimensions = array<i32: 0>} : vector<16xi32>
    %iota3A_3 = tpu.iota {dimensions = array<i32: 0>} : vector<16xi32>
    %xor3A = arith.constant 8 : i32
    %xor3A_4 = vector.broadcast %xor3A : i32 to vector<16xi32>
    %xor3A_5 = arith.xori %iota3A_3, %xor3A_4 : vector<16xi32>
    %iota3A_6 = tpu.iota {dimensions = array<i32: 0>} : vector<16xi32>
    %xor3A_7 = arith.constant 4 : i32
    %xor3A_8 = vector.broadcast %xor3A_7 : i32 to vector<16xi32>
    %xor3A_9 = arith.xori %iota3A_6, %xor3A_8 : vector<16xi32>
    %iota3A_10 = tpu.iota {dimensions = array<i32: 0>} : vector<16xi32>
    %xor3A_11 = arith.constant 2 : i32
    %xor3A_12 = vector.broadcast %xor3A_11 : i32 to vector<16xi32>
    %xor3A_13 = arith.xori %iota3A_10, %xor3A_12 : vector<16xi32>
    %iota3A_14 = tpu.iota {dimensions = array<i32: 0>} : vector<16xi32>
    %xor3A_15 = arith.constant 1 : i32
    %xor3A_16 = vector.broadcast %xor3A_15 : i32 to vector<16xi32>
    %xor3A_17 = arith.xori %iota3A_14, %xor3A_16 : vector<16xi32>
    %broadcast_in_dim3A = arith.constant 0 : i32
    %broadcast_in_dim3A_18 = vector.broadcast %broadcast_in_dim3A : i32 to vector<16xi32>
    %scan3A = arith.constant 0xFF800000 : f32
    %scan3A_19 = arith.constant 0 : i32
    %scan3A_20 = arith.constant 256 : i32
    %scan3A_21 = arith.addi %scan3A_19, %scan3A_20 : i32
    %scan3A_22 = arith.constant 1 : i32
    %scan3A_23 = scf.for %scan3A_27 = %scan3A_19 to %scan3A_21 step %scan3A_22 iter_args(%scan3A_28 = %broadcast_in_dim3A_18) -> (vector<16xi32>)  : i32 {
      %get3A = arith.index_cast %scan3A_27 : i32 to index
      %get3A_29 = arith.constant 0 : index
      %get3A_30 = tpu.vector_load %arg5[%get3A, %get3A_29] {strides = array<i32>} : memref<256x64xf32, #tpu.memory_space<vmem>>, vector<1x16xf32>,
      %get3A_31 = vector.shape_cast %get3A_30 : vector<1x16xf32> to vector<16xf32>
      %get3A_32 = arith.index_cast %scan3A_27 : i32 to index
      %get3A_33 = arith.constant 16 : index
      %get3A_34 = tpu.vector_load %arg5[%get3A_32, %get3A_33] {strides = array<i32>} : memref<256x64xf32, #tpu.memory_space<vmem>>, vector<1x16xf32>,
      %get3A_35 = vector.shape_cast %get3A_34 : vector<1x16xf32> to vector<16xf32>
      %get3A_36 = arith.index_cast %scan3A_27 : i32 to index
      %get3A_37 = arith.constant 32 : index
      %get3A_38 = tpu.vector_load %arg5[%get3A_36, %get3A_37] {strides = array<i32>} : memref<256x64xf32, #tpu.memory_space<vmem>>, vector<1x16xf32>,
      %get3A_39 = vector.shape_cast %get3A_38 : vector<1x16xf32> to vector<16xf32>
      %get3A_40 = arith.index_cast %scan3A_27 : i32 to index
      %get3A_41 = arith.constant 48 : index
      %get3A_42 = tpu.vector_load %arg5[%get3A_40, %get3A_41] {strides = array<i32>} : memref<256x64xf32, #tpu.memory_space<vmem>>, vector<1x16xf32>,
      %get3A_43 = vector.shape_cast %get3A_42 : vector<1x16xf32> to vector<16xf32>
      %broadcast_in_dim3A_44 = arith.constant 0.000000e+00 : f32
      %broadcast_in_dim3A_45 = vector.broadcast %broadcast_in_dim3A_44 : f32 to vector<16xf32>
      %broadcast_in_dim3A_46 = arith.constant 0.000000e+00 : f32
      %broadcast_in_dim3A_47 = vector.broadcast %broadcast_in_dim3A_46 : f32 to vector<16xf32>
      %broadcast_in_dim3A_48 = arith.constant 0.000000e+00 : f32
      %broadcast_in_dim3A_49 = vector.broadcast %broadcast_in_dim3A_48 : f32 to vector<16xf32>
      %broadcast_in_dim3A_50 = arith.constant 0.000000e+00 : f32
      %broadcast_in_dim3A_51 = vector.broadcast %broadcast_in_dim3A_50 : f32 to vector<16xf32>
      %max3A = arith.maximumf %get3A_31, %get3A_35 : vector<16xf32>
      %max3A_52 = arith.maximumf %get3A_39, %get3A_43 : vector<16xf32>
      %max3A_53 = arith.maximumf %max3A, %max3A_52 : vector<16xf32>
      %broadcast_in_dim3A_54 = vector.shape_cast %xor3A_5 : vector<16xi32> to vector<16x1xi32>
      %gather3A = vector.shape_cast %broadcast_in_dim3A_54 : vector<16x1xi32> to vector<16xi32>
      %gather3A_55 = tpu.dynamic_gather %max3A_53[%gather3A] in [0] : vector<16xf32>, vector<16xi32> -> vector<16xf32>
      %max3A_56 = arith.maximumf %max3A_53, %gather3A_55 : vector<16xf32>
      %broadcast_in_dim3A_57 = vector.shape_cast %xor3A_9 : vector<16xi32> to vector<16x1xi32>
      %gather3A_58 = vector.shape_cast %broadcast_in_dim3A_57 : vector<16x1xi32> to vector<16xi32>
      %gather3A_59 = tpu.dynamic_gather %max3A_56[%gather3A_58] in [0] : vector<16xf32>, vector<16xi32> -> vector<16xf32>
      %max3A_60 = arith.maximumf %max3A_56, %gather3A_59 : vector<16xf32>
      %broadcast_in_dim3A_61 = vector.shape_cast %xor3A_13 : vector<16xi32> to vector<16x1xi32>
      %gather3A_62 = vector.shape_cast %broadcast_in_dim3A_61 : vector<16x1xi32> to vector<16xi32>
      %gather3A_63 = tpu.dynamic_gather %max3A_60[%gather3A_62] in [0] : vector<16xf32>, vector<16xi32> -> vector<16xf32>
      %max3A_64 = arith.maximumf %max3A_60, %gather3A_63 : vector<16xf32>
      %broadcast_in_dim3A_65 = vector.shape_cast %xor3A_17 : vector<16xi32> to vector<16x1xi32>
      %gather3A_66 = vector.shape_cast %broadcast_in_dim3A_65 : vector<16x1xi32> to vector<16xi32>
      %gather3A_67 = tpu.dynamic_gather %max3A_64[%gather3A_66] in [0] : vector<16xf32>, vector<16xi32> -> vector<16xf32>
      %max3A_68 = arith.maximumf %max3A_64, %gather3A_67 : vector<16xf32>
      %broadcast_in_dim3A_69 = arith.constant 64 : i32
      %broadcast_in_dim3A_70 = vector.broadcast %broadcast_in_dim3A_69 : i32 to vector<16xi32>
      %eq3A = arith.cmpf oeq, %get3A_31, %max3A_68 : vector<16xf32>
      %add3A_71 = arith.constant 0 : i32
      %add3A_72 = vector.broadcast %add3A_71 : i32 to vector<16xi32>
      %add3A_73 = arith.addi %iota3A, %add3A_72 : vector<16xi32>
      %jit3A = arith.constant 64 : i32
      %broadcast_in_dim3A_74 = vector.broadcast %jit3A : i32 to vector<16xi32>
      %select_n3A = arith.select %eq3A, %add3A_73, %broadcast_in_dim3A_74 : vector<16xi1>, vector<16xi32>
      %min3A = arith.minsi %broadcast_in_dim3A_70, %select_n3A : vector<16xi32>
      %eq3A_75 = arith.cmpf oeq, %get3A_35, %max3A_68 : vector<16xf32>
      %add3A_76 = arith.constant 16 : i32
      %add3A_77 = vector.broadcast %add3A_76 : i32 to vector<16xi32>
      %add3A_78 = arith.addi %iota3A, %add3A_77 : vector<16xi32>
      %jit3A_79 = arith.constant 64 : i32
      %broadcast_in_dim3A_80 = vector.broadcast %jit3A_79 : i32 to vector<16xi32>
      %select_n3A_81 = arith.select %eq3A_75, %add3A_78, %broadcast_in_dim3A_80 : vector<16xi1>, vector<16xi32>
      %min3A_82 = arith.minsi %min3A, %select_n3A_81 : vector<16xi32>
      %eq3A_83 = arith.cmpf oeq, %get3A_39, %max3A_68 : vector<16xf32>
      %add3A_84 = arith.constant 32 : i32
      %add3A_85 = vector.broadcast %add3A_84 : i32 to vector<16xi32>
      %add3A_86 = arith.addi %iota3A, %add3A_85 : vector<16xi32>
      %jit3A_87 = arith.constant 64 : i32
      %broadcast_in_dim3A_88 = vector.broadcast %jit3A_87 : i32 to vector<16xi32>
      %select_n3A_89 = arith.select %eq3A_83, %add3A_86, %broadcast_in_dim3A_88 : vector<16xi1>, vector<16xi32>
      %min3A_90 = arith.minsi %min3A_82, %select_n3A_89 : vector<16xi32>
      %eq3A_91 = arith.cmpf oeq, %get3A_43, %max3A_68 : vector<16xf32>
      %add3A_92 = arith.constant 48 : i32
      %add3A_93 = vector.broadcast %add3A_92 : i32 to vector<16xi32>
      %add3A_94 = arith.addi %iota3A, %add3A_93 : vector<16xi32>
      %jit3A_95 = arith.constant 64 : i32
      %broadcast_in_dim3A_96 = vector.broadcast %jit3A_95 : i32 to vector<16xi32>
      %select_n3A_97 = arith.select %eq3A_91, %add3A_94, %broadcast_in_dim3A_96 : vector<16xi1>, vector<16xi32>
      %min3A_98 = arith.minsi %min3A_90, %select_n3A_97 : vector<16xi32>
      %broadcast_in_dim3A_99 = vector.shape_cast %xor3A_5 : vector<16xi32> to vector<16x1xi32>
      %gather3A_100 = vector.shape_cast %broadcast_in_dim3A_99 : vector<16x1xi32> to vector<16xi32>
      %gather3A_101 = tpu.dynamic_gather %min3A_98[%gather3A_100] in [0] : vector<16xi32>, vector<16xi32> -> vector<16xi32>
      %min3A_102 = arith.minsi %min3A_98, %gather3A_101 : vector<16xi32>
      %broadcast_in_dim3A_103 = vector.shape_cast %xor3A_9 : vector<16xi32> to vector<16x1xi32>
      %gather3A_104 = vector.shape_cast %broadcast_in_dim3A_103 : vector<16x1xi32> to vector<16xi32>
      %gather3A_105 = tpu.dynamic_gather %min3A_102[%gather3A_104] in [0] : vector<16xi32>, vector<16xi32> -> vector<16xi32>
      %min3A_106 = arith.minsi %min3A_102, %gather3A_105 : vector<16xi32>
      %broadcast_in_dim3A_107 = vector.shape_cast %xor3A_13 : vector<16xi32> to vector<16x1xi32>
      %gather3A_108 = vector.shape_cast %broadcast_in_dim3A_107 : vector<16x1xi32> to vector<16xi32>
      %gather3A_109 = tpu.dynamic_gather %min3A_106[%gather3A_108] in [0] : vector<16xi32>, vector<16xi32> -> vector<16xi32>
      %min3A_110 = arith.minsi %min3A_106, %gather3A_109 : vector<16xi32>
      %broadcast_in_dim3A_111 = vector.shape_cast %xor3A_17 : vector<16xi32> to vector<16x1xi32>
      %gather3A_112 = vector.shape_cast %broadcast_in_dim3A_111 : vector<16x1xi32> to vector<16xi32>
      %gather3A_113 = tpu.dynamic_gather %min3A_110[%gather3A_112] in [0] : vector<16xi32>, vector<16xi32> -> vector<16xi32>
      %min3A_114 = arith.minsi %min3A_110, %gather3A_113 : vector<16xi32>
      %add3A_115 = arith.constant 0 : i32
      %add3A_116 = vector.broadcast %add3A_115 : i32 to vector<16xi32>
      %add3A_117 = arith.addi %iota3A, %add3A_116 : vector<16xi32>
      %eq3A_118 = arith.cmpi eq, %add3A_117, %min3A_114 : vector<16xi32>
      %select_n3A_119 = arith.select %eq3A_118, %max3A_68, %broadcast_in_dim3A_45 : vector<16xi1>, vector<16xf32>
      %broadcast_in_dim3A_120 = vector.broadcast %scan3A : f32 to vector<16xf32>
      %select_n3A_121 = arith.select %eq3A_118, %broadcast_in_dim3A_120, %get3A_31 : vector<16xi1>, vector<16xf32>
      %add3A_122 = arith.constant 16 : i32
      %add3A_123 = vector.broadcast %add3A_122 : i32 to vector<16xi32>
      %add3A_124 = arith.addi %iota3A, %add3A_123 : vector<16xi32>
      %eq3A_125 = arith.cmpi eq, %add3A_124, %min3A_114 : vector<16xi32>
      %select_n3A_126 = arith.select %eq3A_125, %max3A_68, %broadcast_in_dim3A_47 : vector<16xi1>, vector<16xf32>
      %broadcast_in_dim3A_127 = vector.broadcast %scan3A : f32 to vector<16xf32>
      %select_n3A_128 = arith.select %eq3A_125, %broadcast_in_dim3A_127, %get3A_35 : vector<16xi1>, vector<16xf32>
      %add3A_129 = arith.constant 32 : i32
      %add3A_130 = vector.broadcast %add3A_129 : i32 to vector<16xi32>
      %add3A_131 = arith.addi %iota3A, %add3A_130 : vector<16xi32>
      %eq3A_132 = arith.cmpi eq, %add3A_131, %min3A_114 : vector<16xi32>
      %select_n3A_133 = arith.select %eq3A_132, %max3A_68, %broadcast_in_dim3A_49 : vector<16xi1>, vector<16xf32>
      %broadcast_in_dim3A_134 = vector.broadcast %scan3A : f32 to vector<16xf32>
      %select_n3A_135 = arith.select %eq3A_132, %broadcast_in_dim3A_134, %get3A_39 : vector<16xi1>, vector<16xf32>
      %add3A_136 = arith.constant 48 : i32
      %add3A_137 = vector.broadcast %add3A_136 : i32 to vector<16xi32>
      %add3A_138 = arith.addi %iota3A, %add3A_137 : vector<16xi32>
      %eq3A_139 = arith.cmpi eq, %add3A_138, %min3A_114 : vector<16xi32>
      %select_n3A_140 = arith.select %eq3A_139, %max3A_68, %broadcast_in_dim3A_51 : vector<16xi1>, vector<16xf32>
      %broadcast_in_dim3A_141 = vector.broadcast %scan3A : f32 to vector<16xf32>
      %select_n3A_142 = arith.select %eq3A_139, %broadcast_in_dim3A_141, %get3A_43 : vector<16xi1>, vector<16xf32>
      %jit3A_143 = arith.constant 4 : i32
      %eq3A_144 = arith.constant 0 : i32
      %eq3A_145 = arith.cmpi eq, %jit3A_143, %eq3A_144 : i32
      %jit3A_146 = arith.constant 1 : i32
      %select_n3A_147 = arith.select %eq3A_145, %jit3A_146, %jit3A_143 : i32
      %rem3A = arith.remsi %scan3A_27, %select_n3A_147 : i32
      %ne3A = arith.constant 0 : i32
      %ne3A_148 = arith.cmpi ne, %rem3A, %ne3A : i32
      %lt3A = arith.constant 0 : i32
      %lt3A_149 = arith.cmpi slt, %rem3A, %lt3A : i32
      %lt3A_150 = arith.constant 0 : i32
      %lt3A_151 = arith.cmpi slt, %select_n3A_147, %lt3A_150 : i32
      %ne3A_152 = arith.xori %lt3A_149, %lt3A_151 : i1
      %and3A = arith.andi %ne3A_152, %ne3A_148 : i1
      %add3A_153 = arith.addi %rem3A, %select_n3A_147 : i32
      %select_n3A_154 = arith.select %and3A, %add3A_153, %rem3A : i32
      %mul3A_155 = arith.constant 4 : i32
      %mul3A_156 = arith.muli %select_n3A_154, %mul3A_155 : i32
      %add3A_157 = arith.constant 0 : i32
      %add3A_158 = arith.addi %mul3A_156, %add3A_157 : i32
      %eq3A_159 = vector.broadcast %add3A_158 : i32 to vector<16xi32>
      %eq3A_160 = arith.cmpi eq, %iota3A, %eq3A_159 : vector<16xi32>
      %select_n3A_161 = arith.select %eq3A_160, %min3A_114, %scan3A_28 : vector<16xi1>, vector<16xi32>
      %max3A_162 = arith.maximumf %select_n3A_121, %select_n3A_128 : vector<16xf32>
      %max3A_163 = arith.maximumf %select_n3A_135, %select_n3A_142 : vector<16xf32>
      %max3A_164 = arith.maximumf %max3A_162, %max3A_163 : vector<16xf32>
      %broadcast_in_dim3A_165 = vector.shape_cast %xor3A_5 : vector<16xi32> to vector<16x1xi32>
      %gather3A_166 = vector.shape_cast %broadcast_in_dim3A_165 : vector<16x1xi32> to vector<16xi32>
      %gather3A_167 = tpu.dynamic_gather %max3A_164[%gather3A_166] in [0] : vector<16xf32>, vector<16xi32> -> vector<16xf32>
      %max3A_168 = arith.maximumf %max3A_164, %gather3A_167 : vector<16xf32>
      %broadcast_in_dim3A_169 = vector.shape_cast %xor3A_9 : vector<16xi32> to vector<16x1xi32>
      %gather3A_170 = vector.shape_cast %broadcast_in_dim3A_169 : vector<16x1xi32> to vector<16xi32>
      %gather3A_171 = tpu.dynamic_gather %max3A_168[%gather3A_170] in [0] : vector<16xf32>, vector<16xi32> -> vector<16xf32>
      %max3A_172 = arith.maximumf %max3A_168, %gather3A_171 : vector<16xf32>
      %broadcast_in_dim3A_173 = vector.shape_cast %xor3A_13 : vector<16xi32> to vector<16x1xi32>
      %gather3A_174 = vector.shape_cast %broadcast_in_dim3A_173 : vector<16x1xi32> to vector<16xi32>
      %gather3A_175 = tpu.dynamic_gather %max3A_172[%gather3A_174] in [0] : vector<16xf32>, vector<16xi32> -> vector<16xf32>
      %max3A_176 = arith.maximumf %max3A_172, %gather3A_175 : vector<16xf32>
      %broadcast_in_dim3A_177 = vector.shape_cast %xor3A_17 : vector<16xi32> to vector<16x1xi32>
      %gather3A_178 = vector.shape_cast %broadcast_in_dim3A_177 : vector<16x1xi32> to vector<16xi32>
      %gather3A_179 = tpu.dynamic_gather %max3A_176[%gather3A_178] in [0] : vector<16xf32>, vector<16xi32> -> vector<16xf32>
      %max3A_180 = arith.maximumf %max3A_176, %gather3A_179 : vector<16xf32>
      %broadcast_in_dim3A_181 = arith.constant 64 : i32
      %broadcast_in_dim3A_182 = vector.broadcast %broadcast_in_dim3A_181 : i32 to vector<16xi32>
      %eq3A_183 = arith.cmpf oeq, %select_n3A_121, %max3A_180 : vector<16xf32>
      %add3A_184 = arith.constant 0 : i32
      %add3A_185 = vector.broadcast %add3A_184 : i32 to vector<16xi32>
      %add3A_186 = arith.addi %iota3A, %add3A_185 : vector<16xi32>
      %jit3A_187 = arith.constant 64 : i32
      %broadcast_in_dim3A_188 = vector.broadcast %jit3A_187 : i32 to vector<16xi32>
      %select_n3A_189 = arith.select %eq3A_183, %add3A_186, %broadcast_in_dim3A_188 : vector<16xi1>, vector<16xi32>
      %min3A_190 = arith.minsi %broadcast_in_dim3A_182, %select_n3A_189 : vector<16xi32>
      %eq3A_191 = arith.cmpf oeq, %select_n3A_128, %max3A_180 : vector<16xf32>
      %add3A_192 = arith.constant 16 : i32
      %add3A_193 = vector.broadcast %add3A_192 : i32 to vector<16xi32>
      %add3A_194 = arith.addi %iota3A, %add3A_193 : vector<16xi32>
      %jit3A_195 = arith.constant 64 : i32
      %broadcast_in_dim3A_196 = vector.broadcast %jit3A_195 : i32 to vector<16xi32>
      %select_n3A_197 = arith.select %eq3A_191, %add3A_194, %broadcast_in_dim3A_196 : vector<16xi1>, vector<16xi32>
      %min3A_198 = arith.minsi %min3A_190, %select_n3A_197 : vector<16xi32>
      %eq3A_199 = arith.cmpf oeq, %select_n3A_135, %max3A_180 : vector<16xf32>
      %add3A_200 = arith.constant 32 : i32
      %add3A_201 = vector.broadcast %add3A_200 : i32 to vector<16xi32>
      %add3A_202 = arith.addi %iota3A, %add3A_201 : vector<16xi32>
      %jit3A_203 = arith.constant 64 : i32
      %broadcast_in_dim3A_204 = vector.broadcast %jit3A_203 : i32 to vector<16xi32>
      %select_n3A_205 = arith.select %eq3A_199, %add3A_202, %broadcast_in_dim3A_204 : vector<16xi1>, vector<16xi32>
      %min3A_206 = arith.minsi %min3A_198, %select_n3A_205 : vector<16xi32>
      %eq3A_207 = arith.cmpf oeq, %select_n3A_142, %max3A_180 : vector<16xf32>
      %add3A_208 = arith.constant 48 : i32
      %add3A_209 = vector.broadcast %add3A_208 : i32 to vector<16xi32>
      %add3A_210 = arith.addi %iota3A, %add3A_209 : vector<16xi32>
      %jit3A_211 = arith.constant 64 : i32
      %broadcast_in_dim3A_212 = vector.broadcast %jit3A_211 : i32 to vector<16xi32>
      %select_n3A_213 = arith.select %eq3A_207, %add3A_210, %broadcast_in_dim3A_212 : vector<16xi1>, vector<16xi32>
      %min3A_214 = arith.minsi %min3A_206, %select_n3A_213 : vector<16xi32>
      %broadcast_in_dim3A_215 = vector.shape_cast %xor3A_5 : vector<16xi32> to vector<16x1xi32>
      %gather3A_216 = vector.shape_cast %broadcast_in_dim3A_215 : vector<16x1xi32> to vector<16xi32>
      %gather3A_217 = tpu.dynamic_gather %min3A_214[%gather3A_216] in [0] : vector<16xi32>, vector<16xi32> -> vector<16xi32>
      %min3A_218 = arith.minsi %min3A_214, %gather3A_217 : vector<16xi32>
      %broadcast_in_dim3A_219 = vector.shape_cast %xor3A_9 : vector<16xi32> to vector<16x1xi32>
      %gather3A_220 = vector.shape_cast %broadcast_in_dim3A_219 : vector<16x1xi32> to vector<16xi32>
      %gather3A_221 = tpu.dynamic_gather %min3A_218[%gather3A_220] in [0] : vector<16xi32>, vector<16xi32> -> vector<16xi32>
      %min3A_222 = arith.minsi %min3A_218, %gather3A_221 : vector<16xi32>
      %broadcast_in_dim3A_223 = vector.shape_cast %xor3A_13 : vector<16xi32> to vector<16x1xi32>
      %gather3A_224 = vector.shape_cast %broadcast_in_dim3A_223 : vector<16x1xi32> to vector<16xi32>
      %gather3A_225 = tpu.dynamic_gather %min3A_222[%gather3A_224] in [0] : vector<16xi32>, vector<16xi32> -> vector<16xi32>
      %min3A_226 = arith.minsi %min3A_222, %gather3A_225 : vector<16xi32>
      %broadcast_in_dim3A_227 = vector.shape_cast %xor3A_17 : vector<16xi32> to vector<16x1xi32>
      %gather3A_228 = vector.shape_cast %broadcast_in_dim3A_227 : vector<16x1xi32> to vector<16xi32>
      %gather3A_229 = tpu.dynamic_gather %min3A_226[%gather3A_228] in [0] : vector<16xi32>, vector<16xi32> -> vector<16xi32>
      %min3A_230 = arith.minsi %min3A_226, %gather3A_229 : vector<16xi32>
      %add3A_231 = arith.constant 0 : i32
      %add3A_232 = vector.broadcast %add3A_231 : i32 to vector<16xi32>
      %add3A_233 = arith.addi %iota3A, %add3A_232 : vector<16xi32>
      %eq3A_234 = arith.cmpi eq, %add3A_233, %min3A_230 : vector<16xi32>
      %select_n3A_235 = arith.select %eq3A_234, %max3A_180, %select_n3A_119 : vector<16xi1>, vector<16xf32>
      %broadcast_in_dim3A_236 = vector.broadcast %scan3A : f32 to vector<16xf32>
      %select_n3A_237 = arith.select %eq3A_234, %broadcast_in_dim3A_236, %select_n3A_121 : vector<16xi1>, vector<16xf32>
      %add3A_238 = arith.constant 16 : i32
      %add3A_239 = vector.broadcast %add3A_238 : i32 to vector<16xi32>
      %add3A_240 = arith.addi %iota3A, %add3A_239 : vector<16xi32>
      %eq3A_241 = arith.cmpi eq, %add3A_240, %min3A_230 : vector<16xi32>
      %select_n3A_242 = arith.select %eq3A_241, %max3A_180, %select_n3A_126 : vector<16xi1>, vector<16xf32>
      %broadcast_in_dim3A_243 = vector.broadcast %scan3A : f32 to vector<16xf32>
      %select_n3A_244 = arith.select %eq3A_241, %broadcast_in_dim3A_243, %select_n3A_128 : vector<16xi1>, vector<16xf32>
      %add3A_245 = arith.constant 32 : i32
      %add3A_246 = vector.broadcast %add3A_245 : i32 to vector<16xi32>
      %add3A_247 = arith.addi %iota3A, %add3A_246 : vector<16xi32>
      %eq3A_248 = arith.cmpi eq, %add3A_247, %min3A_230 : vector<16xi32>
      %select_n3A_249 = arith.select %eq3A_248, %max3A_180, %select_n3A_133 : vector<16xi1>, vector<16xf32>
      %broadcast_in_dim3A_250 = vector.broadcast %scan3A : f32 to vector<16xf32>
      %select_n3A_251 = arith.select %eq3A_248, %broadcast_in_dim3A_250, %select_n3A_135 : vector<16xi1>, vector<16xf32>
      %add3A_252 = arith.constant 48 : i32
      %add3A_253 = vector.broadcast %add3A_252 : i32 to vector<16xi32>
      %add3A_254 = arith.addi %iota3A, %add3A_253 : vector<16xi32>
      %eq3A_255 = arith.cmpi eq, %add3A_254, %min3A_230 : vector<16xi32>
      %select_n3A_256 = arith.select %eq3A_255, %max3A_180, %select_n3A_140 : vector<16xi1>, vector<16xf32>
      %broadcast_in_dim3A_257 = vector.broadcast %scan3A : f32 to vector<16xf32>
      %select_n3A_258 = arith.select %eq3A_255, %broadcast_in_dim3A_257, %select_n3A_142 : vector<16xi1>, vector<16xf32>
      %jit3A_259 = arith.constant 4 : i32
      %eq3A_260 = arith.constant 0 : i32
      %eq3A_261 = arith.cmpi eq, %jit3A_259, %eq3A_260 : i32
      %jit3A_262 = arith.constant 1 : i32
      %select_n3A_263 = arith.select %eq3A_261, %jit3A_262, %jit3A_259 : i32
      %rem3A_264 = arith.remsi %scan3A_27, %select_n3A_263 : i32
      %ne3A_265 = arith.constant 0 : i32
      %ne3A_266 = arith.cmpi ne, %rem3A_264, %ne3A_265 : i32
      %lt3A_267 = arith.constant 0 : i32
      %lt3A_268 = arith.cmpi slt, %rem3A_264, %lt3A_267 : i32
      %lt3A_269 = arith.constant 0 : i32
      %lt3A_270 = arith.cmpi slt, %select_n3A_263, %lt3A_269 : i32
      %ne3A_271 = arith.xori %lt3A_268, %lt3A_270 : i1
      %and3A_272 = arith.andi %ne3A_271, %ne3A_266 : i1
      %add3A_273 = arith.addi %rem3A_264, %select_n3A_263 : i32
      %select_n3A_274 = arith.select %and3A_272, %add3A_273, %rem3A_264 : i32
      %mul3A_275 = arith.constant 4 : i32
      %mul3A_276 = arith.muli %select_n3A_274, %mul3A_275 : i32
      %add3A_277 = arith.constant 1 : i32
      %add3A_278 = arith.addi %mul3A_276, %add3A_277 : i32
      %eq3A_279 = vector.broadcast %add3A_278 : i32 to vector<16xi32>
      %eq3A_280 = arith.cmpi eq, %iota3A, %eq3A_279 : vector<16xi32>
      %select_n3A_281 = arith.select %eq3A_280, %min3A_230, %select_n3A_161 : vector<16xi1>, vector<16xi32>
      %max3A_282 = arith.maximumf %select_n3A_237, %select_n3A_244 : vector<16xf32>
      %max3A_283 = arith.maximumf %select_n3A_251, %select_n3A_258 : vector<16xf32>
      %max3A_284 = arith.maximumf %max3A_282, %max3A_283 : vector<16xf32>
      %broadcast_in_dim3A_285 = vector.shape_cast %xor3A_5 : vector<16xi32> to vector<16x1xi32>
      %gather3A_286 = vector.shape_cast %broadcast_in_dim3A_285 : vector<16x1xi32> to vector<16xi32>
      %gather3A_287 = tpu.dynamic_gather %max3A_284[%gather3A_286] in [0] : vector<16xf32>, vector<16xi32> -> vector<16xf32>
      %max3A_288 = arith.maximumf %max3A_284, %gather3A_287 : vector<16xf32>
      %broadcast_in_dim3A_289 = vector.shape_cast %xor3A_9 : vector<16xi32> to vector<16x1xi32>
      %gather3A_290 = vector.shape_cast %broadcast_in_dim3A_289 : vector<16x1xi32> to vector<16xi32>
      %gather3A_291 = tpu.dynamic_gather %max3A_288[%gather3A_290] in [0] : vector<16xf32>, vector<16xi32> -> vector<16xf32>
      %max3A_292 = arith.maximumf %max3A_288, %gather3A_291 : vector<16xf32>
      %broadcast_in_dim3A_293 = vector.shape_cast %xor3A_13 : vector<16xi32> to vector<16x1xi32>
      %gather3A_294 = vector.shape_cast %broadcast_in_dim3A_293 : vector<16x1xi32> to vector<16xi32>
      %gather3A_295 = tpu.dynamic_gather %max3A_292[%gather3A_294] in [0] : vector<16xf32>, vector<16xi32> -> vector<16xf32>
      %max3A_296 = arith.maximumf %max3A_292, %gather3A_295 : vector<16xf32>
      %broadcast_in_dim3A_297 = vector.shape_cast %xor3A_17 : vector<16xi32> to vector<16x1xi32>
      %gather3A_298 = vector.shape_cast %broadcast_in_dim3A_297 : vector<16x1xi32> to vector<16xi32>
      %gather3A_299 = tpu.dynamic_gather %max3A_296[%gather3A_298] in [0] : vector<16xf32>, vector<16xi32> -> vector<16xf32>
      %max3A_300 = arith.maximumf %max3A_296, %gather3A_299 : vector<16xf32>
      %broadcast_in_dim3A_301 = arith.constant 64 : i32
      %broadcast_in_dim3A_302 = vector.broadcast %broadcast_in_dim3A_301 : i32 to vector<16xi32>
      %eq3A_303 = arith.cmpf oeq, %select_n3A_237, %max3A_300 : vector<16xf32>
      %add3A_304 = arith.constant 0 : i32
      %add3A_305 = vector.broadcast %add3A_304 : i32 to vector<16xi32>
      %add3A_306 = arith.addi %iota3A, %add3A_305 : vector<16xi32>
      %jit3A_307 = arith.constant 64 : i32
      %broadcast_in_dim3A_308 = vector.broadcast %jit3A_307 : i32 to vector<16xi32>
      %select_n3A_309 = arith.select %eq3A_303, %add3A_306, %broadcast_in_dim3A_308 : vector<16xi1>, vector<16xi32>
      %min3A_310 = arith.minsi %broadcast_in_dim3A_302, %select_n3A_309 : vector<16xi32>
      %eq3A_311 = arith.cmpf oeq, %select_n3A_244, %max3A_300 : vector<16xf32>
      %add3A_312 = arith.constant 16 : i32
      %add3A_313 = vector.broadcast %add3A_312 : i32 to vector<16xi32>
      %add3A_314 = arith.addi %iota3A, %add3A_313 : vector<16xi32>
      %jit3A_315 = arith.constant 64 : i32
      %broadcast_in_dim3A_316 = vector.broadcast %jit3A_315 : i32 to vector<16xi32>
      %select_n3A_317 = arith.select %eq3A_311, %add3A_314, %broadcast_in_dim3A_316 : vector<16xi1>, vector<16xi32>
      %min3A_318 = arith.minsi %min3A_310, %select_n3A_317 : vector<16xi32>
      %eq3A_319 = arith.cmpf oeq, %select_n3A_251, %max3A_300 : vector<16xf32>
      %add3A_320 = arith.constant 32 : i32
      %add3A_321 = vector.broadcast %add3A_320 : i32 to vector<16xi32>
      %add3A_322 = arith.addi %iota3A, %add3A_321 : vector<16xi32>
      %jit3A_323 = arith.constant 64 : i32
      %broadcast_in_dim3A_324 = vector.broadcast %jit3A_323 : i32 to vector<16xi32>
      %select_n3A_325 = arith.select %eq3A_319, %add3A_322, %broadcast_in_dim3A_324 : vector<16xi1>, vector<16xi32>
      %min3A_326 = arith.minsi %min3A_318, %select_n3A_325 : vector<16xi32>
      %eq3A_327 = arith.cmpf oeq, %select_n3A_258, %max3A_300 : vector<16xf32>
      %add3A_328 = arith.constant 48 : i32
      %add3A_329 = vector.broadcast %add3A_328 : i32 to vector<16xi32>
      %add3A_330 = arith.addi %iota3A, %add3A_329 : vector<16xi32>
      %jit3A_331 = arith.constant 64 : i32
      %broadcast_in_dim3A_332 = vector.broadcast %jit3A_331 : i32 to vector<16xi32>
      %select_n3A_333 = arith.select %eq3A_327, %add3A_330, %broadcast_in_dim3A_332 : vector<16xi1>, vector<16xi32>
      %min3A_334 = arith.minsi %min3A_326, %select_n3A_333 : vector<16xi32>
      %broadcast_in_dim3A_335 = vector.shape_cast %xor3A_5 : vector<16xi32> to vector<16x1xi32>
      %gather3A_336 = vector.shape_cast %broadcast_in_dim3A_335 : vector<16x1xi32> to vector<16xi32>
      %gather3A_337 = tpu.dynamic_gather %min3A_334[%gather3A_336] in [0] : vector<16xi32>, vector<16xi32> -> vector<16xi32>
      %min3A_338 = arith.minsi %min3A_334, %gather3A_337 : vector<16xi32>
      %broadcast_in_dim3A_339 = vector.shape_cast %xor3A_9 : vector<16xi32> to vector<16x1xi32>
      %gather3A_340 = vector.shape_cast %broadcast_in_dim3A_339 : vector<16x1xi32> to vector<16xi32>
      %gather3A_341 = tpu.dynamic_gather %min3A_338[%gather3A_340] in [0] : vector<16xi32>, vector<16xi32> -> vector<16xi32>
      %min3A_342 = arith.minsi %min3A_338, %gather3A_341 : vector<16xi32>
      %broadcast_in_dim3A_343 = vector.shape_cast %xor3A_13 : vector<16xi32> to vector<16x1xi32>
      %gather3A_344 = vector.shape_cast %broadcast_in_dim3A_343 : vector<16x1xi32> to vector<16xi32>
      %gather3A_345 = tpu.dynamic_gather %min3A_342[%gather3A_344] in [0] : vector<16xi32>, vector<16xi32> -> vector<16xi32>
      %min3A_346 = arith.minsi %min3A_342, %gather3A_345 : vector<16xi32>
      %broadcast_in_dim3A_347 = vector.shape_cast %xor3A_17 : vector<16xi32> to vector<16x1xi32>
      %gather3A_348 = vector.shape_cast %broadcast_in_dim3A_347 : vector<16x1xi32> to vector<16xi32>
      %gather3A_349 = tpu.dynamic_gather %min3A_346[%gather3A_348] in [0] : vector<16xi32>, vector<16xi32> -> vector<16xi32>
      %min3A_350 = arith.minsi %min3A_346, %gather3A_349 : vector<16xi32>
      %add3A_351 = arith.constant 0 : i32
      %add3A_352 = vector.broadcast %add3A_351 : i32 to vector<16xi32>
      %add3A_353 = arith.addi %iota3A, %add3A_352 : vector<16xi32>
      %eq3A_354 = arith.cmpi eq, %add3A_353, %min3A_350 : vector<16xi32>
      %select_n3A_355 = arith.select %eq3A_354, %max3A_300, %select_n3A_235 : vector<16xi1>, vector<16xf32>
      %broadcast_in_dim3A_356 = vector.broadcast %scan3A : f32 to vector<16xf32>
      %select_n3A_357 = arith.select %eq3A_354, %broadcast_in_dim3A_356, %select_n3A_237 : vector<16xi1>, vector<16xf32>
      %add3A_358 = arith.constant 16 : i32
      %add3A_359 = vector.broadcast %add3A_358 : i32 to vector<16xi32>
      %add3A_360 = arith.addi %iota3A, %add3A_359 : vector<16xi32>
      %eq3A_361 = arith.cmpi eq, %add3A_360, %min3A_350 : vector<16xi32>
      %select_n3A_362 = arith.select %eq3A_361, %max3A_300, %select_n3A_242 : vector<16xi1>, vector<16xf32>
      %broadcast_in_dim3A_363 = vector.broadcast %scan3A : f32 to vector<16xf32>
      %select_n3A_364 = arith.select %eq3A_361, %broadcast_in_dim3A_363, %select_n3A_244 : vector<16xi1>, vector<16xf32>
      %add3A_365 = arith.constant 32 : i32
      %add3A_366 = vector.broadcast %add3A_365 : i32 to vector<16xi32>
      %add3A_367 = arith.addi %iota3A, %add3A_366 : vector<16xi32>
      %eq3A_368 = arith.cmpi eq, %add3A_367, %min3A_350 : vector<16xi32>
      %select_n3A_369 = arith.select %eq3A_368, %max3A_300, %select_n3A_249 : vector<16xi1>, vector<16xf32>
      %broadcast_in_dim3A_370 = vector.broadcast %scan3A : f32 to vector<16xf32>
      %select_n3A_371 = arith.select %eq3A_368, %broadcast_in_dim3A_370, %select_n3A_251 : vector<16xi1>, vector<16xf32>
      %add3A_372 = arith.constant 48 : i32
      %add3A_373 = vector.broadcast %add3A_372 : i32 to vector<16xi32>
      %add3A_374 = arith.addi %iota3A, %add3A_373 : vector<16xi32>
      %eq3A_375 = arith.cmpi eq, %add3A_374, %min3A_350 : vector<16xi32>
      %select_n3A_376 = arith.select %eq3A_375, %max3A_300, %select_n3A_256 : vector<16xi1>, vector<16xf32>
      %broadcast_in_dim3A_377 = vector.broadcast %scan3A : f32 to vector<16xf32>
      %select_n3A_378 = arith.select %eq3A_375, %broadcast_in_dim3A_377, %select_n3A_258 : vector<16xi1>, vector<16xf32>
      %jit3A_379 = arith.constant 4 : i32
      %eq3A_380 = arith.constant 0 : i32
      %eq3A_381 = arith.cmpi eq, %jit3A_379, %eq3A_380 : i32
      %jit3A_382 = arith.constant 1 : i32
      %select_n3A_383 = arith.select %eq3A_381, %jit3A_382, %jit3A_379 : i32
      %rem3A_384 = arith.remsi %scan3A_27, %select_n3A_383 : i32
      %ne3A_385 = arith.constant 0 : i32
      %ne3A_386 = arith.cmpi ne, %rem3A_384, %ne3A_385 : i32
      %lt3A_387 = arith.constant 0 : i32
      %lt3A_388 = arith.cmpi slt, %rem3A_384, %lt3A_387 : i32
      %lt3A_389 = arith.constant 0 : i32
      %lt3A_390 = arith.cmpi slt, %select_n3A_383, %lt3A_389 : i32
      %ne3A_391 = arith.xori %lt3A_388, %lt3A_390 : i1
      %and3A_392 = arith.andi %ne3A_391, %ne3A_386 : i1
      %add3A_393 = arith.addi %rem3A_384, %select_n3A_383 : i32
      %select_n3A_394 = arith.select %and3A_392, %add3A_393, %rem3A_384 : i32
      %mul3A_395 = arith.constant 4 : i32
      %mul3A_396 = arith.muli %select_n3A_394, %mul3A_395 : i32
      %add3A_397 = arith.constant 2 : i32
      %add3A_398 = arith.addi %mul3A_396, %add3A_397 : i32
      %eq3A_399 = vector.broadcast %add3A_398 : i32 to vector<16xi32>
      %eq3A_400 = arith.cmpi eq, %iota3A, %eq3A_399 : vector<16xi32>
      %select_n3A_401 = arith.select %eq3A_400, %min3A_350, %select_n3A_281 : vector<16xi1>, vector<16xi32>
      %max3A_402 = arith.maximumf %select_n3A_357, %select_n3A_364 : vector<16xf32>
      %max3A_403 = arith.maximumf %select_n3A_371, %select_n3A_378 : vector<16xf32>
      %max3A_404 = arith.maximumf %max3A_402, %max3A_403 : vector<16xf32>
      %broadcast_in_dim3A_405 = vector.shape_cast %xor3A_5 : vector<16xi32> to vector<16x1xi32>
      %gather3A_406 = vector.shape_cast %broadcast_in_dim3A_405 : vector<16x1xi32> to vector<16xi32>
      %gather3A_407 = tpu.dynamic_gather %max3A_404[%gather3A_406] in [0] : vector<16xf32>, vector<16xi32> -> vector<16xf32>
      %max3A_408 = arith.maximumf %max3A_404, %gather3A_407 : vector<16xf32>
      %broadcast_in_dim3A_409 = vector.shape_cast %xor3A_9 : vector<16xi32> to vector<16x1xi32>
      %gather3A_410 = vector.shape_cast %broadcast_in_dim3A_409 : vector<16x1xi32> to vector<16xi32>
      %gather3A_411 = tpu.dynamic_gather %max3A_408[%gather3A_410] in [0] : vector<16xf32>, vector<16xi32> -> vector<16xf32>
      %max3A_412 = arith.maximumf %max3A_408, %gather3A_411 : vector<16xf32>
      %broadcast_in_dim3A_413 = vector.shape_cast %xor3A_13 : vector<16xi32> to vector<16x1xi32>
      %gather3A_414 = vector.shape_cast %broadcast_in_dim3A_413 : vector<16x1xi32> to vector<16xi32>
      %gather3A_415 = tpu.dynamic_gather %max3A_412[%gather3A_414] in [0] : vector<16xf32>, vector<16xi32> -> vector<16xf32>
      %max3A_416 = arith.maximumf %max3A_412, %gather3A_415 : vector<16xf32>
      %broadcast_in_dim3A_417 = vector.shape_cast %xor3A_17 : vector<16xi32> to vector<16x1xi32>
      %gather3A_418 = vector.shape_cast %broadcast_in_dim3A_417 : vector<16x1xi32> to vector<16xi32>
      %gather3A_419 = tpu.dynamic_gather %max3A_416[%gather3A_418] in [0] : vector<16xf32>, vector<16xi32> -> vector<16xf32>
      %max3A_420 = arith.maximumf %max3A_416, %gather3A_419 : vector<16xf32>
      %broadcast_in_dim3A_421 = arith.constant 64 : i32
      %broadcast_in_dim3A_422 = vector.broadcast %broadcast_in_dim3A_421 : i32 to vector<16xi32>
      %eq3A_423 = arith.cmpf oeq, %select_n3A_357, %max3A_420 : vector<16xf32>
      %add3A_424 = arith.constant 0 : i32
      %add3A_425 = vector.broadcast %add3A_424 : i32 to vector<16xi32>
      %add3A_426 = arith.addi %iota3A, %add3A_425 : vector<16xi32>
      %jit3A_427 = arith.constant 64 : i32
      %broadcast_in_dim3A_428 = vector.broadcast %jit3A_427 : i32 to vector<16xi32>
      %select_n3A_429 = arith.select %eq3A_423, %add3A_426, %broadcast_in_dim3A_428 : vector<16xi1>, vector<16xi32>
      %min3A_430 = arith.minsi %broadcast_in_dim3A_422, %select_n3A_429 : vector<16xi32>
      %eq3A_431 = arith.cmpf oeq, %select_n3A_364, %max3A_420 : vector<16xf32>
      %add3A_432 = arith.constant 16 : i32
      %add3A_433 = vector.broadcast %add3A_432 : i32 to vector<16xi32>
      %add3A_434 = arith.addi %iota3A, %add3A_433 : vector<16xi32>
      %jit3A_435 = arith.constant 64 : i32
      %broadcast_in_dim3A_436 = vector.broadcast %jit3A_435 : i32 to vector<16xi32>
      %select_n3A_437 = arith.select %eq3A_431, %add3A_434, %broadcast_in_dim3A_436 : vector<16xi1>, vector<16xi32>
      %min3A_438 = arith.minsi %min3A_430, %select_n3A_437 : vector<16xi32>
      %eq3A_439 = arith.cmpf oeq, %select_n3A_371, %max3A_420 : vector<16xf32>
      %add3A_440 = arith.constant 32 : i32
      %add3A_441 = vector.broadcast %add3A_440 : i32 to vector<16xi32>
      %add3A_442 = arith.addi %iota3A, %add3A_441 : vector<16xi32>
      %jit3A_443 = arith.constant 64 : i32
      %broadcast_in_dim3A_444 = vector.broadcast %jit3A_443 : i32 to vector<16xi32>
      %select_n3A_445 = arith.select %eq3A_439, %add3A_442, %broadcast_in_dim3A_444 : vector<16xi1>, vector<16xi32>
      %min3A_446 = arith.minsi %min3A_438, %select_n3A_445 : vector<16xi32>
      %eq3A_447 = arith.cmpf oeq, %select_n3A_378, %max3A_420 : vector<16xf32>
      %add3A_448 = arith.constant 48 : i32
      %add3A_449 = vector.broadcast %add3A_448 : i32 to vector<16xi32>
      %add3A_450 = arith.addi %iota3A, %add3A_449 : vector<16xi32>
      %jit3A_451 = arith.constant 64 : i32
      %broadcast_in_dim3A_452 = vector.broadcast %jit3A_451 : i32 to vector<16xi32>
      %select_n3A_453 = arith.select %eq3A_447, %add3A_450, %broadcast_in_dim3A_452 : vector<16xi1>, vector<16xi32>
      %min3A_454 = arith.minsi %min3A_446, %select_n3A_453 : vector<16xi32>
      %broadcast_in_dim3A_455 = vector.shape_cast %xor3A_5 : vector<16xi32> to vector<16x1xi32>
      %gather3A_456 = vector.shape_cast %broadcast_in_dim3A_455 : vector<16x1xi32> to vector<16xi32>
      %gather3A_457 = tpu.dynamic_gather %min3A_454[%gather3A_456] in [0] : vector<16xi32>, vector<16xi32> -> vector<16xi32>
      %min3A_458 = arith.minsi %min3A_454, %gather3A_457 : vector<16xi32>
      %broadcast_in_dim3A_459 = vector.shape_cast %xor3A_9 : vector<16xi32> to vector<16x1xi32>
      %gather3A_460 = vector.shape_cast %broadcast_in_dim3A_459 : vector<16x1xi32> to vector<16xi32>
      %gather3A_461 = tpu.dynamic_gather %min3A_458[%gather3A_460] in [0] : vector<16xi32>, vector<16xi32> -> vector<16xi32>
      %min3A_462 = arith.minsi %min3A_458, %gather3A_461 : vector<16xi32>
      %broadcast_in_dim3A_463 = vector.shape_cast %xor3A_13 : vector<16xi32> to vector<16x1xi32>
      %gather3A_464 = vector.shape_cast %broadcast_in_dim3A_463 : vector<16x1xi32> to vector<16xi32>
      %gather3A_465 = tpu.dynamic_gather %min3A_462[%gather3A_464] in [0] : vector<16xi32>, vector<16xi32> -> vector<16xi32>
      %min3A_466 = arith.minsi %min3A_462, %gather3A_465 : vector<16xi32>
      %broadcast_in_dim3A_467 = vector.shape_cast %xor3A_17 : vector<16xi32> to vector<16x1xi32>
      %gather3A_468 = vector.shape_cast %broadcast_in_dim3A_467 : vector<16x1xi32> to vector<16xi32>
      %gather3A_469 = tpu.dynamic_gather %min3A_466[%gather3A_468] in [0] : vector<16xi32>, vector<16xi32> -> vector<16xi32>
      %min3A_470 = arith.minsi %min3A_466, %gather3A_469 : vector<16xi32>
      %add3A_471 = arith.constant 0 : i32
      %add3A_472 = vector.broadcast %add3A_471 : i32 to vector<16xi32>
      %add3A_473 = arith.addi %iota3A, %add3A_472 : vector<16xi32>
      %eq3A_474 = arith.cmpi eq, %add3A_473, %min3A_470 : vector<16xi32>
      %select_n3A_475 = arith.select %eq3A_474, %max3A_420, %select_n3A_355 : vector<16xi1>, vector<16xf32>
      %broadcast_in_dim3A_476 = vector.broadcast %scan3A : f32 to vector<16xf32>
      %select_n3A_477 = arith.select %eq3A_474, %broadcast_in_dim3A_476, %select_n3A_357 : vector<16xi1>, vector<16xf32>
      %add3A_478 = arith.constant 16 : i32
      %add3A_479 = vector.broadcast %add3A_478 : i32 to vector<16xi32>
      %add3A_480 = arith.addi %iota3A, %add3A_479 : vector<16xi32>
      %eq3A_481 = arith.cmpi eq, %add3A_480, %min3A_470 : vector<16xi32>
      %select_n3A_482 = arith.select %eq3A_481, %max3A_420, %select_n3A_362 : vector<16xi1>, vector<16xf32>
      %broadcast_in_dim3A_483 = vector.broadcast %scan3A : f32 to vector<16xf32>
      %select_n3A_484 = arith.select %eq3A_481, %broadcast_in_dim3A_483, %select_n3A_364 : vector<16xi1>, vector<16xf32>
      %add3A_485 = arith.constant 32 : i32
      %add3A_486 = vector.broadcast %add3A_485 : i32 to vector<16xi32>
      %add3A_487 = arith.addi %iota3A, %add3A_486 : vector<16xi32>
      %eq3A_488 = arith.cmpi eq, %add3A_487, %min3A_470 : vector<16xi32>
      %select_n3A_489 = arith.select %eq3A_488, %max3A_420, %select_n3A_369 : vector<16xi1>, vector<16xf32>
      %broadcast_in_dim3A_490 = vector.broadcast %scan3A : f32 to vector<16xf32>
      %select_n3A_491 = arith.select %eq3A_488, %broadcast_in_dim3A_490, %select_n3A_371 : vector<16xi1>, vector<16xf32>
      %add3A_492 = arith.constant 48 : i32
      %add3A_493 = vector.broadcast %add3A_492 : i32 to vector<16xi32>
      %add3A_494 = arith.addi %iota3A, %add3A_493 : vector<16xi32>
      %eq3A_495 = arith.cmpi eq, %add3A_494, %min3A_470 : vector<16xi32>
      %select_n3A_496 = arith.select %eq3A_495, %max3A_420, %select_n3A_376 : vector<16xi1>, vector<16xf32>
      %broadcast_in_dim3A_497 = vector.broadcast %scan3A : f32 to vector<16xf32>
      %select_n3A_498 = arith.select %eq3A_495, %broadcast_in_dim3A_497, %select_n3A_378 : vector<16xi1>, vector<16xf32>
      %jit3A_499 = arith.constant 4 : i32
      %eq3A_500 = arith.constant 0 : i32
      %eq3A_501 = arith.cmpi eq, %jit3A_499, %eq3A_500 : i32
      %jit3A_502 = arith.constant 1 : i32
      %select_n3A_503 = arith.select %eq3A_501, %jit3A_502, %jit3A_499 : i32
      %rem3A_504 = arith.remsi %scan3A_27, %select_n3A_503 : i32
      %ne3A_505 = arith.constant 0 : i32
      %ne3A_506 = arith.cmpi ne, %rem3A_504, %ne3A_505 : i32
      %lt3A_507 = arith.constant 0 : i32
      %lt3A_508 = arith.cmpi slt, %rem3A_504, %lt3A_507 : i32
      %lt3A_509 = arith.constant 0 : i32
      %lt3A_510 = arith.cmpi slt, %select_n3A_503, %lt3A_509 : i32
      %ne3A_511 = arith.xori %lt3A_508, %lt3A_510 : i1
      %and3A_512 = arith.andi %ne3A_511, %ne3A_506 : i1
      %add3A_513 = arith.addi %rem3A_504, %select_n3A_503 : i32
      %select_n3A_514 = arith.select %and3A_512, %add3A_513, %rem3A_504 : i32
      %mul3A_515 = arith.constant 4 : i32
      %mul3A_516 = arith.muli %select_n3A_514, %mul3A_515 : i32
      %add3A_517 = arith.constant 3 : i32
      %add3A_518 = arith.addi %mul3A_516, %add3A_517 : i32
      %eq3A_519 = vector.broadcast %add3A_518 : i32 to vector<16xi32>
      %eq3A_520 = arith.cmpi eq, %iota3A, %eq3A_519 : vector<16xi32>
      %select_n3A_521 = arith.select %eq3A_520, %min3A_470, %select_n3A_401 : vector<16xi1>, vector<16xi32>
      %swap3A = arith.index_cast %scan3A_27 : i32 to index
      %swap3A_522 = arith.constant 0 : index
      %swap3A_523 = tpu.vector_load %arg5[%swap3A, %swap3A_522] {strides = array<i32>} : memref<256x64xf32, #tpu.memory_space<vmem>>, vector<1x16xf32>,
      %swap3A_524 = vector.shape_cast %swap3A_523 : vector<1x16xf32> to vector<16xf32>
      %swap3A_525 = vector.shape_cast %select_n3A_475 : vector<16xf32> to vector<1x16xf32>
      tpu.vector_store %arg5[%swap3A, %swap3A_522], %swap3A_525 {strides = array<i32>} : memref<256x64xf32, #tpu.memory_space<vmem>>, vector<1x16xf32>,
      %swap3A_526 = arith.index_cast %scan3A_27 : i32 to index
      %swap3A_527 = arith.constant 16 : index
      %swap3A_528 = tpu.vector_load %arg5[%swap3A_526, %swap3A_527] {strides = array<i32>} : memref<256x64xf32, #tpu.memory_space<vmem>>, vector<1x16xf32>,
      %swap3A_529 = vector.shape_cast %swap3A_528 : vector<1x16xf32> to vector<16xf32>
      %swap3A_530 = vector.shape_cast %select_n3A_482 : vector<16xf32> to vector<1x16xf32>
      tpu.vector_store %arg5[%swap3A_526, %swap3A_527], %swap3A_530 {strides = array<i32>} : memref<256x64xf32, #tpu.memory_space<vmem>>, vector<1x16xf32>,
      %swap3A_531 = arith.index_cast %scan3A_27 : i32 to index
      %swap3A_532 = arith.constant 32 : index
      %swap3A_533 = tpu.vector_load %arg5[%swap3A_531, %swap3A_532] {strides = array<i32>} : memref<256x64xf32, #tpu.memory_space<vmem>>, vector<1x16xf32>,
      %swap3A_534 = vector.shape_cast %swap3A_533 : vector<1x16xf32> to vector<16xf32>
      %swap3A_535 = vector.shape_cast %select_n3A_489 : vector<16xf32> to vector<1x16xf32>
      tpu.vector_store %arg5[%swap3A_531, %swap3A_532], %swap3A_535 {strides = array<i32>} : memref<256x64xf32, #tpu.memory_space<vmem>>, vector<1x16xf32>,
      %swap3A_536 = arith.index_cast %scan3A_27 : i32 to index
      %swap3A_537 = arith.constant 48 : index
      %swap3A_538 = tpu.vector_load %arg5[%swap3A_536, %swap3A_537] {strides = array<i32>} : memref<256x64xf32, #tpu.memory_space<vmem>>, vector<1x16xf32>,
      %swap3A_539 = vector.shape_cast %swap3A_538 : vector<1x16xf32> to vector<16xf32>
      %swap3A_540 = vector.shape_cast %select_n3A_496 : vector<16xf32> to vector<1x16xf32>
      tpu.vector_store %arg5[%swap3A_536, %swap3A_537], %swap3A_540 {strides = array<i32>} : memref<256x64xf32, #tpu.memory_space<vmem>>, vector<1x16xf32>,
      %jit3A_541 = arith.constant 4 : i32
      %eq3A_542 = arith.constant 0 : i32
      %eq3A_543 = arith.cmpi eq, %jit3A_541, %eq3A_542 : i32
      %jit3A_544 = arith.constant 1 : i32
      %select_n3A_545 = arith.select %eq3A_543, %jit3A_544, %jit3A_541 : i32
      %rem3A_546 = arith.remsi %scan3A_27, %select_n3A_545 : i32
      %ne3A_547 = arith.constant 0 : i32
      %ne3A_548 = arith.cmpi ne, %rem3A_546, %ne3A_547 : i32
      %lt3A_549 = arith.constant 0 : i32
      %lt3A_550 = arith.cmpi slt, %rem3A_546, %lt3A_549 : i32
      %lt3A_551 = arith.constant 0 : i32
      %lt3A_552 = arith.cmpi slt, %select_n3A_545, %lt3A_551 : i32
      %ne3A_553 = arith.xori %lt3A_550, %lt3A_552 : i1
      %and3A_554 = arith.andi %ne3A_553, %ne3A_548 : i1
      %add3A_555 = arith.addi %rem3A_546, %select_n3A_545 : i32
      %select_n3A_556 = arith.select %and3A_554, %add3A_555, %rem3A_546 : i32
      %eq3A_557 = arith.constant 3 : i32
      %eq3A_558 = arith.cmpi eq, %select_n3A_556, %eq3A_557 : i32
      %convert_element_type3A = arith.extui %eq3A_558 : i1 to i32
      %cond3A = arith.constant 0 : i32
      %cond3A_559 = arith.cmpi ne, %convert_element_type3A, %cond3A : i32
      scf.if %cond3A_559 {
        %jit3A_560 = arith.constant 4 : i32
        %div3A = arith.divsi %scan3A_27, %jit3A_560 : i32
        %sign3A = arith.constant 0 : i32
        %sign3A_561 = arith.cmpi sgt, %scan3A_27, %sign3A : i32
        %sign3A_562 = arith.extui %sign3A_561 : i1 to i32
        %sign3A_563 = arith.constant 0 : i32
        %sign3A_564 = arith.cmpi slt, %scan3A_27, %sign3A_563 : i32
        %sign3A_565 = arith.extui %sign3A_564 : i1 to i32
        %sign3A_566 = arith.subi %sign3A_562, %sign3A_565 : i32
        %sign3A_567 = arith.constant 0 : i32
        %sign3A_568 = arith.cmpi sgt, %jit3A_560, %sign3A_567 : i32
        %sign3A_569 = arith.extui %sign3A_568 : i1 to i32
        %sign3A_570 = arith.constant 0 : i32
        %sign3A_571 = arith.cmpi slt, %jit3A_560, %sign3A_570 : i32
        %sign3A_572 = arith.extui %sign3A_571 : i1 to i32
        %sign3A_573 = arith.subi %sign3A_569, %sign3A_572 : i32
        %ne3A_574 = arith.cmpi ne, %sign3A_566, %sign3A_573 : i32
        %rem3A_575 = arith.remsi %scan3A_27, %jit3A_560 : i32
        %ne3A_576 = arith.constant 0 : i32
        %ne3A_577 = arith.cmpi ne, %rem3A_575, %ne3A_576 : i32
        %and3A_578 = arith.andi %ne3A_574, %ne3A_577 : i1
        %sub3A = arith.constant 1 : i32
        %sub3A_579 = arith.subi %div3A, %sub3A : i32
        %select_n3A_580 = arith.select %and3A_578, %sub3A_579, %div3A : i32
        %mul3A_581 = arith.constant 16 : i32
        %mul3A_582 = arith.muli %select_n3A_580, %mul3A_581 : i32
        %swap3A_583 = arith.index_cast %mul3A_582 : i32 to index
        %swap3A_584 = tpu.vector_load %arg6[%swap3A_583] {strides = array<i32>} : memref<1024xi32, #tpu.memory_space<vmem>>, vector<16xi32>,
        %swap3A_585 = vector.shape_cast %swap3A_584 : vector<16xi32> to vector<16xi32>
        %swap3A_586 = vector.shape_cast %select_n3A_521 : vector<16xi32> to vector<16xi32>
        tpu.vector_store %arg6[%swap3A_583], %swap3A_586 {strides = array<i32>} : memref<1024xi32, #tpu.memory_space<vmem>>, vector<16xi32>,
      } else {
      }
      scf.yield %select_n3A_521 : vector<16xi32>
    }
    %scan3A_24 = arith.constant 256 : i32
    "tpu.region"() ({
      %run_scoped3A = tpu.sem_alloc : memref<!tpu.dma_semaphore, #tpu.memory_space<semaphore_mem>>
      %dma_start3A = arith.constant 0 : i32
      %dma_start3A_27 = tpu.memref_slice %arg3[%mul3A_2, %dma_start3A] : memref<8192x64xf32, #tpu.memory_space<hbm>> -> memref<256x64xf32, #tpu.memory_space<hbm>>
      %dma_start3A_28 = arith.constant 0 : i32
      %dma_start3A_29 = tpu.memref_slice %arg3[%mul3A_2, %dma_start3A_28] : memref<8192x64xf32, #tpu.memory_space<hbm>> -> memref<256x64xf32, #tpu.memory_space<hbm>>
      tpu.enqueue_dma source(%arg5 : memref<256x64xf32, #tpu.memory_space<vmem>>) target(%dma_start3A_29 : memref<256x64xf32, #tpu.memory_space<hbm>>) target_semaphore(%run_scoped3A : memref<!tpu.dma_semaphore, #tpu.memory_space<semaphore_mem>>)
      %dma_wait3A = arith.constant 0 : i32
      %dma_wait3A_30 = tpu.memref_slice %arg3[%mul3A_2, %dma_wait3A] : memref<8192x64xf32, #tpu.memory_space<hbm>> -> memref<256x64xf32, #tpu.memory_space<hbm>>
      %dma_wait3A_31 = arith.constant 0 : i32
      %dma_wait3A_32 = tpu.memref_slice %arg3[%mul3A_2, %dma_wait3A_31] : memref<8192x64xf32, #tpu.memory_space<hbm>> -> memref<256x64xf32, #tpu.memory_space<hbm>>
      tpu.wait_dma2 semaphore(%run_scoped3A : memref<!tpu.dma_semaphore, #tpu.memory_space<semaphore_mem>>) src(%arg5 : memref<256x64xf32, #tpu.memory_space<vmem>>) dst(%dma_wait3A_32 : memref<256x64xf32, #tpu.memory_space<hbm>>)
      tpu.yield
    }) : () -> ()
    %mul3A_25 = arith.constant 4 : i32
    %mul3A_26 = arith.muli %mul3A_2, %mul3A_25 : i32
    "tpu.region"() ({
      %run_scoped3A = tpu.sem_alloc : memref<!tpu.dma_semaphore, #tpu.memory_space<semaphore_mem>>
      %dma_start3A = tpu.memref_slice %arg4[%mul3A_26] : memref<32768xi32, #tpu.memory_space<hbm>> -> memref<1024xi32, #tpu.memory_space<hbm>>
      %dma_start3A_27 = tpu.memref_slice %arg4[%mul3A_26] : memref<32768xi32, #tpu.memory_space<hbm>> -> memref<1024xi32, #tpu.memory_space<hbm>>
      tpu.enqueue_dma source(%arg6 : memref<1024xi32, #tpu.memory_space<vmem>>) target(%dma_start3A_27 : memref<1024xi32, #tpu.memory_space<hbm>>) target_semaphore(%run_scoped3A : memref<!tpu.dma_semaphore, #tpu.memory_space<semaphore_mem>>)
      %dma_wait3A = tpu.memref_slice %arg4[%mul3A_26] : memref<32768xi32, #tpu.memory_space<hbm>> -> memref<1024xi32, #tpu.memory_space<hbm>>
      %dma_wait3A_28 = tpu.memref_slice %arg4[%mul3A_26] : memref<32768xi32, #tpu.memory_space<hbm>> -> memref<1024xi32, #tpu.memory_space<hbm>>
      tpu.wait_dma2 semaphore(%run_scoped3A : memref<!tpu.dma_semaphore, #tpu.memory_space<semaphore_mem>>) src(%arg6 : memref<1024xi32, #tpu.memory_space<vmem>>) dst(%dma_wait3A_28 : memref<1024xi32, #tpu.memory_space<hbm>>)
      tpu.yield
    }) : () -> ()
    return
  }
}

module attributes {stable_mosaic.version = 14 : i64} {
  func.func @_scores_block(%arg0: i32, %arg1: memref<1024x2048xf32, #tpu.memory_space<vmem>>, %arg2: memref<2048x64xf32, #tpu.memory_space<vmem>>, %arg3: memref<1x64xf32, #tpu.memory_space<vmem>>, %arg4: memref<1024x64xf32, #tpu.memory_space<vmem>>) attributes {dimension_semantics = [#tpu.dimension_semantics<arbitrary>], iteration_bounds = array<i64: 8>, scalar_prefetch = 0 : i64, scratch_operands = 0 : i64, tpu.core_type = #tpu.core_type<tc>, window_params = [{transform_indices = @transform_0, window_bounds = array<i64: 1024, 2048>}, {pipeline_mode = #tpu.pipeline_mode<synchronous>, transform_indices = @transform_1, window_bounds = array<i64: 2048, 64>}, {pipeline_mode = #tpu.pipeline_mode<synchronous>, transform_indices = @transform_2, window_bounds = array<i64: 1, 64>}, {transform_indices = @transform_3, window_bounds = array<i64: 1024, 64>}]} {
    %get3A = arith.constant 0 : index
    %get3A_0 = arith.constant 0 : index
    %get3A_1 = vector.load %arg1[%get3A, %get3A_0] : memref<1024x2048xf32, #tpu.memory_space<vmem>>, vector<1024x2048xf32>
    %get3A_2 = arith.constant 0 : index
    %get3A_3 = arith.constant 0 : index
    %get3A_4 = vector.load %arg2[%get3A_2, %get3A_3] : memref<2048x64xf32, #tpu.memory_space<vmem>>, vector<2048x64xf32>
    %dot_general3A = arith.constant dense<0.000000e+00> : vector<1024x64xf32>
    %dot_general3A_5 = tpu.matmul %get3A_1, %get3A_4, %dot_general3A {dimension_numbers = #tpu.dot_dimension_numbers<[1], [0], [0], [1], [0, 0, 1, 1], [], []>, transpose_lhs_hint = false} : vector<1024x2048xf32>, vector<2048x64xf32>, vector<1024x64xf32> -> vector<1024x64xf32>
    %get3A_6 = arith.constant 0 : index
    %get3A_7 = arith.constant 0 : index
    %get3A_8 = vector.load %arg3[%get3A_6, %get3A_7] : memref<1x64xf32, #tpu.memory_space<vmem>>, vector<1x64xf32>
    %add3A = vector.broadcast %get3A_8 : vector<1x64xf32> to vector<1024x64xf32>
    %add3A_9 = arith.addf %dot_general3A_5, %add3A : vector<1024x64xf32>
    %reduce_max3A = arith.constant dense<0xFF800000> : vector<1024xf32>
    %reduce_max3A_10 = vector.multi_reduction <maximumf>, %add3A_9, %reduce_max3A [1] : vector<1024x64xf32> to vector<1024xf32>
    %broadcast_in_dim3A = vector.shape_cast %reduce_max3A_10 : vector<1024xf32> to vector<1024x1xf32>
    %sub3A = vector.broadcast %broadcast_in_dim3A : vector<1024x1xf32> to vector<1024x64xf32>
    %sub3A_11 = arith.subf %add3A_9, %sub3A : vector<1024x64xf32>
    %exp3A = math.exp %sub3A_11 : vector<1024x64xf32>
    %reduce_sum3A = arith.constant dense<0.000000e+00> : vector<1024xf32>
    %reduce_sum3A_12 = vector.multi_reduction <add>, %exp3A, %reduce_sum3A [1] : vector<1024x64xf32> to vector<1024xf32>
    %broadcast_in_dim3A_13 = vector.shape_cast %reduce_sum3A_12 : vector<1024xf32> to vector<1024x1xf32>
    %div3A = vector.broadcast %broadcast_in_dim3A_13 : vector<1024x1xf32> to vector<1024x64xf32>
    %div3A_14 = arith.divf %exp3A, %div3A : vector<1024x64xf32>
    %swap3A = arith.constant 0 : index
    %swap3A_15 = arith.constant 0 : index
    %swap3A_16 = vector.load %arg4[%swap3A, %swap3A_15] : memref<1024x64xf32, #tpu.memory_space<vmem>>, vector<1024x64xf32>
    tpu.vector_store %arg4[%swap3A, %swap3A_15], %div3A_14 {strides = array<i32>} : memref<1024x64xf32, #tpu.memory_space<vmem>>, vector<1024x64xf32>,
    return
  }
  func.func @transform_0(%arg0: i32) -> (i32, i32) {
    %c0_i32 = arith.constant 0 : i32
    %c0_i32_0 = arith.constant 0 : i32
    return %arg0, %c0_i32 : i32, i32
  }
  func.func @transform_1(%arg0: i32) -> (i32, i32) {
    %c0_i32 = arith.constant 0 : i32
    %c0_i32_0 = arith.constant 0 : i32
    %c0_i32_1 = arith.constant 0 : i32
    return %c0_i32, %c0_i32_0 : i32, i32
  }
  func.func @transform_2(%arg0: i32) -> (i32, i32) {
    %c0_i32 = arith.constant 0 : i32
    %c0_i32_0 = arith.constant 0 : i32
    %c0_i32_1 = arith.constant 0 : i32
    return %c0_i32, %c0_i32_0 : i32, i32
  }
  func.func @transform_3(%arg0: i32) -> (i32, i32) {
    %c0_i32 = arith.constant 0 : i32
    %c0_i32_0 = arith.constant 0 : i32
    return %arg0, %c0_i32 : i32, i32
  }
}

</mosaic_0001>

<sc_bundles>
// kernel: kernel.6.cloned.1.call-start
scs
__scs_entry_jumppad:
0x0: {  	(pc) =	sbr.rel $0x88, $3  }
0x1: {  	(tag) =	ssettag $0x0;
	lr =	simm.s32 $0x1  }
0x2: {  	[smem:$0x3F9E] =	sst lr;
	_ =	strace $0xD0000000  }
0x3: {  	_ = 	snop  }
0x4: {  	_ = 	snop  }
0x5: {  	_ = 	snop  }
0x6: {  	_ = 	snop  }
0x7: {  	_ = 	snop  }
__scs_overlays_trampoline_lowered:
0x8: {  	[smem:$0x3FAD] =	sst s0  }
0x9: {  	[smem:$0x3FAE] =	sst s1  }
0xa: {  	[smem:$0x3FAF] =	sst s2  }
0xb: {  	[smem:$0x3FB0] =	sst s3  }
0xc: {  	[smem:$0x3FB1] =	sst s4  }
0xd: {  	[smem:$0x3FB2] =	sst s5  }
0xe: {  	[smem:$0x3FB3] =	sst s6  }
0xf: {  	[smem:$0x3FB4] =	sst s7  }
0x10: {  	[smem:$0x3FB5] =	sst s8  }
0x11: {  	[smem:$0x3FB6] =	sst s9;
	s0 =	simm.s32 @!p0 $0x0  }
0x12: {  	s1 =	sld [smem:$0x3F9C];
	s0 =	simm.s32 @p0 $0x1  }
0x13: {  	[smem:$0x3FB7] =	sst s0;
	s0 =	simm.s32 @!p1 $0x0  }
0x14: {  	s2 =	sld [smem:$0x3F9B];
	s0 =	simm.s32 @p1 $0x1  }
0x15: {  	[smem:$0x3FB8] =	sst s0;
	s0 =	simm.s32 @!p2 $0x0  }
0x16: {  	s3 =	sld [smem:$0x3FDB];
	s0 =	simm.s32 @p2 $0x1  }
0x17: {  	s4 =	simm.s32 $0x1BF5;
	[smem:$0x3FBA] =	sst s0  }
0x18: {  	s0 =	sld [smem:$0x3F9D];
	_ =	swait.ge [sflag:s4], $0x0  }
0x19: {  	s7 =	sld [smem:$0x3F9E]  }
0x1a: {  	s8 =	sadd.s32 $0xFFFFE003, lr  }
0x1b: {  	s9 =	sadd.s32 $0xFFFFFEF7, lr;
	s5 =	simm.s32 $0xFFFFFFFF;
	p2 =	slt.u32 s8, $0xFFFFF086  }
0x1c: {  	p1 =	slt.u32 s9, $0xF7A;
	s5 =	simm.s32 @!p2 $0x0  }
0x1d: {  	s5 =	simm.s32 @p1 $0x1;
	p0 =	seq.s32 s7, s2  }
0x1e: {  	s7 =	smul.u32 @!p0 $0xF7A, s2;
	p2 =	seq.s32 @!p0 s5, $0x0  }
0x1f: {  	s9 =	smul.u32 $0xF7A, s1;
	s8 =	simm.s32 @!p0 $0x1BF5;
	p2 =	por !p2, p0  }
0x20: {  	[sflag:s8] =	ssyncset.s32 @!p0 $0xFFFFF086;
	s6 =	sadd.s32 @!p0 s3, s7;
	s7 =	simm.s32 @!p0 $0x108  }
0x21: {  	s3 =	sadd.s32 s3, s9;
	s6 =	sadd.s32 @!p0 $0x88, s6;
	s7 =	simm.s32 @p2 $0x1082  }
0x22: {  	[simem:s7], [sflag:s8] =	dma.local @!p0 [hbm:s6], $0xF7A  }
0x23: {  	s9 =	sor.u32 $0xD0000000, s2;
	s6 =	simm.s32 $0x108;
	_ =	swait.ge @!p0 [sflag:s8], $0x0  }
0x24: {  	s3 =	sadd.s32 $0x88, s3;
	s6 =	simm.s32 @!p1 $0x1082;
	[sflag:s4] =	ssyncset.s32 $0xFFFFF086  }
0x25: {  	[simem:s6], [sflag:s4] =	dma.local [hbm:s3], $0xF7A  }
0x26: {  	[smem:$0x3F9E] =	sst s1;
	(tag) =	ssettag s2;
	_ =	strace s9  }
0x27: {  	s1 =	sld [smem:$0x3FAE]  }
0x28: {  	s2 =	sld [smem:$0x3FAF]  }
0x29: {  	s4 =	sld [smem:$0x3FB1]  }
0x2a: {  	p0 =	seq.s32 s5, $0x0;
	s5 =	sld [smem:$0x3FB2]  }
0x2b: {  	s6 =	sld [smem:$0x3FB3]  }
0x2c: {  	s7 =	sld [smem:$0x3FB4]  }
0x2d: {  	s3 =	simm.s32 $0x108;
	s8 =	sld [smem:$0x3FB5]  }
0x2e: {  	s3 =	simm.s32 @!p0 $0x1082;
	s9 =	sld [smem:$0x3FB6]  }
0x2f: {  	lr =	sadd.s32 s0, s3;
	s0 =	sld [smem:$0x3FAD]  }
0x30: {  	s3 =	sld [smem:$0x3FB0]  }
0x31: {  	[smem:$0x3FB9] =	sst s10  }
0x32: {  	s10 =	sld [smem:$0x3FB7];
	_ =	sdelay $0x3  }
0x33: {  	p0 =	seq.s32 s10, $0x1;
	s10 =	sld [smem:$0x3FB9];
	_ =	sdelay $0x3  }
0x34: {  	[smem:$0x3FB9] =	sst s10  }
0x35: {  	s10 =	sld [smem:$0x3FB8];
	_ =	sdelay $0x3  }
0x36: {  	p1 =	seq.s32 s10, $0x1;
	s10 =	sld [smem:$0x3FB9];
	_ =	sdelay $0x3  }
0x37: {  	[smem:$0x3FB9] =	sst s10  }
0x38: {  	s10 =	sld [smem:$0x3FBA]  }
0x39: {  	_ = 	snop;
	(pc) =	sbr.ind lr, $3  }
0x3a: {  	_ = 	snop  }
0x3b: {  	_ = 	snop  }
0x3c: {  	p2 =	seq.s32 s10, $0x1;
	s10 =	sld [smem:$0x3FB9]  }
0x3d: {  	_ =	shalt  }
0x3e: {  	_ =	shalt  }
0x3f: {  	_ =	shalt  }
0x40: {  	_ =	shalt  }
0x41: {  	_ =	shalt  }
0x42: {  	_ =	shalt  }
0x43: {  	_ =	shalt  }
0x44: {  	_ =	shalt  }
0x45: {  	_ =	shalt  }
0x46: {  	_ =	shalt  }
0x47: {  	_ =	shalt  }
0x48: {  	_ =	shalt  }
0x49: {  	_ =	shalt  }
0x4a: {  	_ =	shalt  }
0x4b: {  	_ =	shalt  }
0x4c: {  	_ =	shalt  }
0x4d: {  	_ =	shalt  }
0x4e: {  	_ =	shalt  }
0x4f: {  	_ =	shalt  }
0x50: {  	_ =	shalt  }
0x51: {  	_ =	shalt  }
0x52: {  	_ =	shalt  }
0x53: {  	_ =	shalt  }
0x54: {  	_ =	shalt  }
0x55: {  	_ =	shalt  }
0x56: {  	_ =	shalt  }
0x57: {  	_ =	shalt  }
0x58: {  	_ =	shalt  }
0x59: {  	_ =	shalt  }
0x5a: {  	_ =	shalt  }
0x5b: {  	_ =	shalt  }
0x5c: {  	_ =	shalt  }
0x5d: {  	_ =	shalt  }
0x5e: {  	_ =	shalt  }
0x5f: {  	_ =	shalt  }
0x60: {  	_ =	shalt  }
0x61: {  	_ =	shalt  }
0x62: {  	_ =	shalt  }
0x63: {  	_ =	shalt  }
0x64: {  	_ =	shalt  }
0x65: {  	_ =	shalt  }
0x66: {  	_ =	shalt  }
0x67: {  	_ =	shalt  }
0x68: {  	_ =	shalt  }
0x69: {  	_ =	shalt  }
0x6a: {  	_ =	shalt  }
0x6b: {  	_ =	shalt  }
0x6c: {  	_ =	shalt  }
0x6d: {  	_ =	shalt  }
0x6e: {  	_ =	shalt  }
0x6f: {  	_ =	shalt  }
0x70: {  	_ =	shalt  }
0x71: {  	_ =	shalt  }
0x72: {  	_ =	shalt  }
0x73: {  	_ =	shalt  }
0x74: {  	_ =	shalt  }
0x75: {  	_ =	shalt  }
0x76: {  	_ =	shalt  }
0x77: {  	_ =	shalt  }
0x78: {  	_ =	shalt  }
0x79: {  	_ =	shalt  }
0x7a: {  	_ =	shalt  }
0x7b: {  	_ =	shalt  }
0x7c: {  	_ =	shalt  }
0x7d: {  	_ =	shalt  }
0x7e: {  	_ =	shalt  }
0x7f: {  	_ =	shalt  }
0x80: {  	_ =	shalt  }
0x81: {  	_ =	shalt  }
0x82: {  	_ =	shalt  }
0x83: {  	_ =	shalt  }
0x84: {  	_ =	shalt  }
0x85: {  	_ =	shalt  }
0x86: {  	_ =	shalt  }
0x87: {  	_ =	shalt  }
.Lfunc_end0:
.L_simem_size_0:
called_computation_lowered:
.L_overlay_start_0:
0x88: {  	s2 =	sld [smem:$0x3FD9]  }
0x89: {  	s3 =	sld [smem:$0x3FFE];
	_ =	sdelay $0x1  }
0x8a: {  	s1 =	srdreg.scid  }
0x8b: {  	s0 =	sand.u32 $0x1, s1  }
0x8c: {  	s15 =	sshll.u32 s0, $0xA;
	s2 =	sadd.s32 s3, s2  }
0x8d: {  	s2 =	sadd.s32 s2, s15  }
0x8e: {  	[smem:$0x3FC5] =	sst s2  }
0x8f: {  	_ = 	snop  }
0x90: {  	s2 =	sld [smem:$0x3FD0];
	_ =	sdelay $0x2  }
0x91: {  	s16 =	simm.s32 $0xB;
	s4 =	simm.s32 $0x10  }
0x92: {  	[smem:s4], [sflag:s16] =	dma.local [hbm:s2], $0x1  }
0x93: {  	_ =	swait.eq [sflag:s16], $0x1  }
0x94: {  	[sflag:s16] =	ssyncset.done $0x0  }
0x95: {  	[sflag:s16] =	ssyncadd.s32 $0xFFFFFFFF  }
0x96: {  	s17 =	sld [smem:$0x11];
	(tm) =	ssettm $0x1  }
0x97: {  	s18 =	sld [smem:$0x3FFB];
	_ =	sdelay $0x3  }
0x98: {  	_ =	strace s18  }
0x99: {  	s2 =	sld [smem:$0x3FFC];
	_ =	sdelay $0x3  }
0x9a: {  	_ =	strace s2  }
0x9b: {  	s2 =	sld [smem:$0x3FFD];
	_ =	sdelay $0x3  }
0x9c: {  	_ =	strace s2  }
0x9d: {  	_ =	strace $0x8FFFFFFF  }
0x9e: {  	s19 =	sld [smem:$0x3FDB];
	_ =	sdelay $0x1  }
0x9f: {  	s20 =	simm.s32 $_scs_section_size  }
0xa0: {  	s5 =	simm.s32 $_size__tile_overlayer_lowered;
	s6 =	simm.s32 $_tile_overlayer_lowered  }
0xa1: {  	s7 =	simm.s32 $0x1BFF;
	s21 =	sshll.u32 s6, $0x1;
	s4 =	sadd.s32 s20, s19  }
0xa2: {  	s22 =	simm.s32 $0x0;
	s5 =	sshll.u32 s5, $0x1;
	s6 =	sadd.s32 s21, s4  }
0xa3: {  	[timem:s22], [sflag:s7] =	dma.local [hbm:s6], s5  }
0xa4: {  	_ =	swait.ge [sflag:s7], s5  }
0xa5: {  	s5 =	ssub.s32 $0x0, s5;
	[sflag:s7] =	ssyncset.done $0x0  }
0xa6: {  	[sflag:s7] =	ssyncadd.s32 s5;
	_ =	sdelay $0x1  }
0xa7: {  	s23 =	simm.s32 $0x1B8B  }
0xa8: {  	_ =	swait.ge [sflag:s23], $0x1  }
0xa9: {  	[sflag:s23] =	ssyncset.done $0x0  }
0xaa: {  	[sflag:s23] =	ssyncadd.s32 $0xFFFFFFFF  }
0xab: {  	s5 =	sld [smem:$0x0]  }
0xac: {  	s6 =	sand.u32 $0xFFFFFFFE, s1  }
0xad: {  	p0 =	sne.s32 s1, s6  }
0xae: {  	s6 =	sshll.u32 @p0 s6, $0xE  }
0xaf: {  	s6 =	sadd.s32 @p0 $0x11B8D, s6;
	s7 =	sshll.u32 @p0 s5, $0x11  }
0xb0: {  	s6 =	sor.u32 @p0 s7, s6  }
0xb1: {  	[sflag:s6] =	ssyncadd.remote.s32 @p0 $0x1;
	_ =	sdelay $0x1  }
0xb2: {  	s6 =	simm.s32 @p0 $0x1B8D  }
0xb3: {  	_ =	swait.eq @p0 [sflag:s6], $0x1  }
0xb4: {  	[sflag:s6] =	ssyncadd.s32 @p0 $0xFFFFFFFF  }
0xb5: {  	s7 =	sshll.u32 @!p0 s1, $0xE  }
0xb6: {  	s7 =	sor.u32 @!p0 $0x4000, s7;
	s6 =	simm.s32 @!p0 $0x1B8D  }
0xb7: {  	s5 =	sshll.u32 @!p0 s5, $0x11;
	s7 =	sadd.s32 @!p0 $0x11B8D, s7;
	_ =	swait.eq @!p0 [sflag:s6], $0x1  }
0xb8: {  	s5 =	sor.u32 @!p0 s5, s7;
	[sflag:s6] =	ssyncadd.s32 @!p0 $0xFFFFFFFF  }
0xb9: {  	s25 =	simm.s32 $0x1B8E;
	s24 =	sld [smem:$0x3FFE];
	[sflag:s5] =	ssyncadd.remote.s32 @!p0 $0x1  }
0xba: {  	s26 =	simm.s32 $execute0_lowered;
	[smem:$0x3FD2] =	sst s25  }
0xbb: {  	s6 =	sshll.u32 s26, $0x1;
	_ =	strace $0x80000049;
	[dreg:$0x1] =	wrdreg $0xFFFFFFFF  }
0xbc: {  	s28 =	simm.s32 $_size_execute0_lowered;
	s4 =	sadd.s32 s4, s6;
	[dreg:$0x0] =	wrdreg $0x0  }
0xbd: {  	s6 =	sshll.u32 s28, $0x1;
	[dreg:$0x2] =	wrdreg s4  }
0xbe: {  	[dreg:$0x3] =	wrdreg s6  }
0xbf: {  	[dreg:$0x4] =	wrdreg $0xC0  }
0xc0: {  	_ =	task [dreg:s22], $0x5FFFF  }
0xc1: {  	[dreg:$0x1] =	wrdreg $0xFFFFFFFF  }
0xc2: {  	[dreg:$0x0] =	wrdreg $0x60  }
0xc3: {  	[dreg:$0x2] =	wrdreg s24  }
0xc4: {  	[dreg:$0x3] =	wrdreg s17  }
0xc5: {  	[dreg:$0x4] =	wrdreg $0x9  }
0xc6: {  	_ =	task.clear_ibuf [dreg:s22], $0x5FFFF;
	_ =	strace $0x90000049  }
0xc7: {  	s29 =	simm.s32 $0x9;
	_ =	strace $0x8000004B  }
0xc8: {  	_ =	swait.ge [sflag:s29], $0x1  }
0xc9: {  	[sflag:s29] =	ssyncadd.s32 $0xFFFFFFFF  }
0xca: {  	_ =	strace $0x9000004B  }
0xcb: {  	_ =	sfence  }
0xcc: {  	s30 =	sld [smem:$0x0];
	_ =	sdelay $0x2  }
0xcd: {  	s31 =	sshll.u32 s1, $0xD;
	s1 =	sshrl.u32 s1, $0x2  }
0xce: {  	s4 =	sand.u32 $0x4000, s31;
	s1 =	sadd.s32 s1, s30  }
0xcf: {  	s0 =	sor.u32 s4, s0;
	s1 =	sshll.u32 s1, $0x11  }
0xd0: {  	s0 =	sor.u32 s1, s0  }
0xd1: {  	s0 =	sadd.s32 $0x8F2B, s0  }
0xd2: {  	[sflag:s0] =	ssyncadd.remote.s32 $0x1  }
0xd3: {  	_ =	sfence.sel $0xFFFF  }
0xd4: {  	[dreg:$0x0] =	wrdreg $0xFFFFFFFF;
	(pc) =	sbr.abs _section_cstart, $3  }
0xd5: {  	[dreg:$0x1] =	wrdreg $0xFFFFFFFF  }
0xd6: {  	_ =	task.clear_ibuf [dreg:s22], $0x2FFFF;
	_ =	strace $0x9FFFFFFF  }
0xd7: {  	(tm) =	ssettm $0x7FFFFFFF  }
tec
execute0_lowered:
.L_overlay_start_1:
0x0: {  	(tag) =	ssettag $0x1  }
0x1: {  	v0 =	vimm.s32 $0xFEDCBA98;
	v1 =	vimm.s32 $0x76543210  }
0x2: {  	v2 =	vimm.s32 $0xBA98FEDC;
	v3 =	vimm.s32 $0x32107654;
	v4 =	vimm.s32 $0xDCFE98BA  }
0x3: {  	v5 =	vimm.s32 $0x54761032;
	v6 =	vimm.s32 $0xEFCDAB89;
	v7 =	vimm.s32 $0x67452301  }
0x4: {  	v0 =	vunpack.c.l.s4.s8 v0;
	v1 =	vunpack.c.l.s4.s8 v1;
	v2 =	vunpack.c.l.s4.s8 v2  }
0x5: {  	s3 =	rddreg [dreg:$0x0];
	v3 =	vunpack.c.l.s4.s8 v3;
	v4 =	vunpack.c.l.s4.s8 v4;
	v5 =	vunpack.c.l.s4.s8 v5  }
0x6: {  	s1 =	srdreg.scid;
	s0 =	stileid.u32;
	v6 =	vunpack.c.l.s4.s8 v6;
	v7 =	vunpack.c.l.s4.s8 v7;
	v0 =	vunpack.c.0.s8.s32 v0  }
0x7: {  	s5 =	rddreg [dreg:$0x1];
	s2 =	simm.s32 $0x0;
	s9 =	simm.s32 $0x0;
	v2 =	vunpack.c.0.s8.s32 v2;
	v3 =	vunpack.c.0.s8.s32 v3;
	v4 =	vunpack.c.0.s8.s32 v4  }
0x8: {  	s4 =	sand.u32 $0x1, s1;
	s6 =	sshll.u32 s0, $0x1;
	s1 =	rddreg [dreg:$0x2];
	v5 =	vunpack.c.0.s8.s32 v5;
	v6 =	vunpack.c.0.s8.s32 v6;
	v7 =	vunpack.c.0.s8.s32 v7  }
0x9: {  	[smem:$0x7FF] =	sst s2;
	s6 =	sor.u32 s4, s6;
	s4 =	ssub.s32 $0x2, s4;
	v1 =	vunpack.c.0.s8.s32 v1;
	v2 =	vcombine.low v3, v2  }
0xa: {  	_ =	strace $0x8000004A;
	s7 =	sshll.u32 s6, $0xC;
	s31 =	sshrl.u32 s4, $0x1;
	v0 =	vand.u32 $0xF, v0;
	v3 =	vcombine.low v5, v4;
	v4 =	vcombine.low v7, v6  }
0xb: {  	s6 =	sshll.u32 s6, $0x7;
	s7 =	sadd.s32 s7, s3;
	s8 =	ssub.s32 s4, s31;
	v0 =	vcombine.low v0, v1;
	v1 =	vand.u32 $0xF, v2  }
0xc: {  	s5 =	sadd.s32 s5, s6;
	s3 =	sadd.s32 $0x22A00, s7;
	s4 =	sadd.s32 $0x42A00, s7;
	v2 =	vand.u32 $0xF, v3;
	v3 =	vand.u32 $0xF, v4;
	v4 =	vlaneseq.u32  }
0xd: {  	s6 =	smax.u32 s8, $0x1;
	s7 =	simm.s32 $0x1;
	s8 =	simm.s32 $0x8000;
	v5 =	vor.u32 $0x30, v4;
	v6 =	vor.u32 $0x20, v4;
	v7 =	vor.u32 $0x10, v4  }
.LBB2_1:
0xe: {  	[tilespmem:s2], [sflag:$0x1] =	stream.linear.gather [hbm4b:s3+s2], $0x8000, $0x38;
	[tilespmem:$0x8400] =	vst v63  }
0xf: {  	_ =	swait.ge [sflag:s7], $0x8000  }
0x10: {  	[sflag:s7] =	ssyncset.done $0x0  }
0x11: {  	s10 =	simm.s32 $0x20;
	[sflag:s7] =	ssyncadd.s32 $0xFFFF8000  }
0x12: {  	v10 =	vld [tilespmem:s10+$0xFFFFFFE0]  }
0x13: {  	v11 =	vld [tilespmem:s10+$0x10]  }
0x14: {  	v12 =	vld [tilespmem:s10+$0x0]  }
0x15: {  	v13 =	vld [tilespmem:s10+$0xFFFFFFF0];
	_ =	sdelay $0x4  }
0x16: {  	v8 =	vmax.f32 v12, v11;
	v9 =	vmax.f32 v10, v13  }
0x17: {  	v8 =	vmax.f32 v9, v8  }
0x18: {  	v9 =	vperm.xlane v8, v0;
	_ =	sdelay $0x1  }
0x19: {  	v8 =	vmax.f32 v8, v9  }
0x1a: {  	v9 =	vperm.xlane v8, v1;
	_ =	sdelay $0x1  }
0x1b: {  	v8 =	vmax.f32 v8, v9  }
0x1c: {  	v9 =	vperm.xlane v8, v2;
	_ =	sdelay $0x1  }
0x1d: {  	v8 =	vmax.f32 v8, v9  }
0x1e: {  	v9 =	vperm.xlane v8, v3;
	_ =	sdelay $0x1  }
0x1f: {  	v9 =	vmax.f32 v8, v9  }
0x20: {  	vm0 =	veq.f32 v11, v9  }
0x21: {  	vm1 =	veq.f32 v12, v9;
	v8 =	vnsel vm0, $0x40, v5  }
0x22: {  	vm0 =	veq.f32 v13, v9;
	v8 =	vsel vm1, v6, v8  }
0x23: {  	vm1 =	veq.f32 v10, v9;
	v8 =	vsel vm0, v7, v8  }
0x24: {  	v8 =	vsel vm1, v4, v8  }
0x25: {  	v14 =	vperm.xlane v8, v0;
	_ =	sdelay $0x1  }
0x26: {  	vm0 =	vlt.s32 v8, v14  }
0x27: {  	v8 =	vsel vm0, v8, v14  }
0x28: {  	v14 =	vperm.xlane v8, v1;
	_ =	sdelay $0x1  }
0x29: {  	vm0 =	vlt.s32 v8, v14  }
0x2a: {  	v8 =	vsel vm0, v8, v14  }
0x2b: {  	v14 =	vperm.xlane v8, v2;
	_ =	sdelay $0x1  }
0x2c: {  	vm0 =	vlt.s32 v8, v14  }
0x2d: {  	v8 =	vsel vm0, v8, v14  }
0x2e: {  	v14 =	vperm.xlane v8, v3;
	_ =	sdelay $0x1  }
0x2f: {  	vm0 =	vlt.s32 v8, v14  }
0x30: {  	v8 =	vsel vm0, v8, v14  }
0x31: {  	vm2 =	veq.s32 v8, v4;
	vm1 =	veq.s32 v8, v7  }
0x32: {  	vm0 =	veq.s32 v8, v6;
	vm3 =	veq.s32 v8, v5;
	v10 =	vsel vm2, $0xFF800000, v10  }
0x33: {  	v13 =	vsel vm1, $0xFF800000, v13;
	v12 =	vsel vm0, $0xFF800000, v12;
	v11 =	vsel vm3, $0xFF800000, v11  }
0x34: {  	v14 =	vmax.f32 v10, v13;
	v15 =	vmax.f32 v12, v11  }
0x35: {  	v14 =	vmax.f32 v14, v15  }
0x36: {  	v15 =	vperm.xlane v14, v0;
	_ =	sdelay $0x1  }
0x37: {  	v14 =	vmax.f32 v14, v15  }
0x38: {  	v15 =	vperm.xlane v14, v1;
	_ =	sdelay $0x1  }
0x39: {  	v14 =	vmax.f32 v14, v15  }
0x3a: {  	v15 =	vperm.xlane v14, v2;
	_ =	sdelay $0x1  }
0x3b: {  	v14 =	vmax.f32 v14, v15  }
0x3c: {  	v15 =	vperm.xlane v14, v3;
	_ =	sdelay $0x1  }
0x3d: {  	v14 =	vmax.f32 v14, v15  }
0x3e: {  	vm4 =	veq.f32 v11, v14  }
0x3f: {  	vm5 =	veq.f32 v12, v14;
	v15 =	vnsel vm4, $0x40, v5  }
0x40: {  	vm10 =	veq.f32 v13, v14;
	v15 =	vsel vm5, v6, v15  }
0x41: {  	vm11 =	veq.f32 v10, v14;
	v15 =	vsel vm10, v7, v15  }
0x42: {  	v15 =	vsel vm11, v4, v15  }
0x43: {  	v16 =	vperm.xlane v15, v0;
	_ =	sdelay $0x1  }
0x44: {  	vm12 =	vlt.s32 v15, v16  }
0x45: {  	v15 =	vsel vm12, v15, v16  }
0x46: {  	v16 =	vperm.xlane v15, v1;
	_ =	sdelay $0x1  }
0x47: {  	vm4 =	vlt.s32 v15, v16  }
0x48: {  	v15 =	vsel vm4, v15, v16  }
0x49: {  	v16 =	vperm.xlane v15, v2;
	_ =	sdelay $0x1  }
0x4a: {  	vm4 =	vlt.s32 v15, v16  }
0x4b: {  	v15 =	vsel vm4, v15, v16  }
0x4c: {  	v16 =	vperm.xlane v15, v3;
	_ =	sdelay $0x1  }
0x4d: {  	vm4 =	vlt.s32 v15, v16  }
0x4e: {  	v20 =	vsel vm4, v15, v16  }
0x4f: {  	vm6 =	veq.s32 v20, v4;
	vm4 =	veq.s32 v20, v7  }
0x50: {  	vm5 =	veq.s32 v20, v6;
	vm7 =	veq.s32 v20, v5;
	v10 =	vsel vm6, $0xFF800000, v10  }
0x51: {  	v13 =	vsel vm4, $0xFF800000, v13;
	v12 =	vsel vm5, $0xFF800000, v12;
	v11 =	vsel vm7, $0xFF800000, v11  }
0x52: {  	v15 =	vmax.f32 v10, v13;
	v16 =	vmax.f32 v12, v11  }
0x53: {  	v15 =	vmax.f32 v15, v16  }
0x54: {  	v16 =	vperm.xlane v15, v0;
	_ =	sdelay $0x1  }
0x55: {  	v15 =	vmax.f32 v15, v16  }
0x56: {  	v16 =	vperm.xlane v15, v1;
	_ =	sdelay $0x1  }
0x57: {  	v15 =	vmax.f32 v15, v16  }
0x58: {  	v16 =	vperm.xlane v15, v2;
	_ =	sdelay $0x1  }
0x59: {  	v15 =	vmax.f32 v15, v16  }
0x5a: {  	v16 =	vperm.xlane v15, v3;
	_ =	sdelay $0x1  }
0x5b: {  	v17 =	vmax.f32 v15, v16  }
0x5c: {  	vm8 =	veq.f32 v11, v17  }
0x5d: {  	vm9 =	veq.f32 v12, v17;
	v15 =	vnsel vm8, $0x40, v5  }
0x5e: {  	vm13 =	veq.f32 v13, v17;
	v15 =	vsel vm9, v6, v15  }
0x5f: {  	vm14 =	veq.f32 v10, v17;
	v15 =	vsel vm13, v7, v15  }
0x60: {  	v15 =	vsel vm14, v4, v15  }
0x61: {  	v16 =	vperm.xlane v15, v0;
	_ =	sdelay $0x1  }
0x62: {  	vm15 =	vlt.s32 v15, v16  }
0x63: {  	v15 =	vsel vm15, v15, v16  }
0x64: {  	v16 =	vperm.xlane v15, v1;
	_ =	sdelay $0x1  }
0x65: {  	vm8 =	vlt.s32 v15, v16  }
0x66: {  	v15 =	vsel vm8, v15, v16  }
0x67: {  	v16 =	vperm.xlane v15, v2;
	_ =	sdelay $0x1  }
0x68: {  	vm8 =	vlt.s32 v15, v16  }
0x69: {  	v15 =	vsel vm8, v15, v16  }
0x6a: {  	v16 =	vperm.xlane v15, v3;
	_ =	sdelay $0x1  }
0x6b: {  	vm8 =	vlt.s32 v15, v16  }
0x6c: {  	v21 =	vsel vm8, v15, v16  }
0x6d: {  	vm10 =	veq.s32 v21, v4;
	vm9 =	veq.s32 v21, v7  }
0x6e: {  	vm8 =	veq.s32 v21, v6;
	vm11 =	veq.s32 v21, v5;
	v10 =	vsel vm10, $0xFF800000, v10  }
0x6f: {  	v13 =	vsel vm9, $0xFF800000, v13;
	v12 =	vsel vm8, $0xFF800000, v12;
	v11 =	vsel vm11, $0xFF800000, v11  }
0x70: {  	v15 =	vmax.f32 v10, v13;
	v16 =	vmax.f32 v12, v11  }
0x71: {  	v15 =	vmax.f32 v15, v16  }
0x72: {  	v16 =	vperm.xlane v15, v0;
	_ =	sdelay $0x1  }
0x73: {  	v15 =	vmax.f32 v15, v16  }
0x74: {  	v16 =	vperm.xlane v15, v1;
	_ =	sdelay $0x1  }
0x75: {  	v15 =	vmax.f32 v15, v16  }
0x76: {  	v16 =	vperm.xlane v15, v2;
	_ =	sdelay $0x1  }
0x77: {  	v15 =	vmax.f32 v15, v16  }
0x78: {  	v16 =	vperm.xlane v15, v3;
	_ =	sdelay $0x1  }
0x79: {  	v15 =	vmax.f32 v15, v16  }
0x7a: {  	vm12 =	veq.f32 v11, v15  }
0x7b: {  	v11 =	vnsel vm12, $0x40, v5;
	vm12 =	veq.f32 v12, v15  }
0x7c: {  	v11 =	vsel vm12, v6, v11;
	vm12 =	veq.f32 v13, v15  }
0x7d: {  	v11 =	vsel vm12, v7, v11;
	vm12 =	veq.f32 v10, v15  }
0x7e: {  	v10 =	vsel vm12, v4, v11  }
0x7f: {  	v11 =	vperm.xlane v10, v0;
	_ =	sdelay $0x1  }
0x80: {  	vm12 =	vlt.s32 v10, v11  }
0x81: {  	v10 =	vsel vm12, v10, v11  }
0x82: {  	v11 =	vperm.xlane v10, v1  }
0x83: {  	v16 =	vnsel vm1, $0x0, v9;
	v12 =	vnsel vm2, $0x0, v9  }
0x84: {  	s11 =	sand.u32 $0x3, s2;
	v13 =	vnsel vm3, $0x0, v9;
	v9 =	vnsel vm0, $0x0, v9;
	vm0 =	vlt.s32 v10, v11  }
0x85: {  	s12 =	sshll.u32 s11, $0x2;
	v12 =	vsel vm6, v14, v12;
	v13 =	vsel vm7, v14, v13;
	v10 =	vsel vm0, v10, v11  }
0x86: {  	s13 =	sor.u32 $0x1, s12;
	v9 =	vsel vm5, v14, v9;
	v11 =	vsel vm4, v14, v16;
	v14 =	vperm.xlane v10, v2  }
0x87: {  	v22 =	vimm.s32 $0x0;
	v23 =	vmov s12;
	s12 =	sor.u32 $0x2, s12;
	v24 =	vmov s13  }
0x88: {  	s31 =	sshllo.u32 s11, $0x2;
	v25 =	vmov s12;
	v18 =	vsel vm10, v17, v12;
	vm0 =	vlt.s32 v10, v14  }
0x89: {  	v12 =	vmov s31;
	v16 =	vsel vm11, v17, v13;
	v10 =	vsel vm0, v10, v14  }
0x8a: {  	v19 =	vsel vm9, v17, v11;
	vm0 =	veq.s32 v23, v4;
	v11 =	vperm.xlane v10, v3  }
0x8b: {  	v17 =	vsel vm8, v17, v9;
	v8 =	vsel vm0, v8, v22;
	vm0 =	veq.s32 v24, v4  }
0x8c: {  	s14 =	simm.s32 $0xA0;
	v8 =	vsel vm0, v20, v8;
	vm0 =	veq.s32 v25, v4;
	vm1 =	vlt.s32 v10, v11  }
0x8d: {  	s15 =	simm.s32 $0x0;
	s13 =	simm.s32 $0x1;
	s12 =	simm.s32 $0x0;
	v8 =	vsel vm0, v21, v8;
	vm0 =	veq.s32 v12, v4;
	v10 =	vsel vm1, v10, v11  }
.LBB2_2:
0x8e: {  	s16 =	sand.u32 $0x3, s13;
	s13 =	sadd.s32 $0x1, s13;
	vm1 =	veq.s32 v10, v4;
	vm2 =	veq.s32 v10, v7;
	v8 =	vsel vm0, v10, v8;
	s15 =	sadd.s32 $0x10, s15  }
0x8f: {  	vm0 =	veq.s32 v10, v5;
	s17 =	sshll.u32 s16, $0x2;
	s18 =	sshllo.u32 s16, $0x2;
	p0 =	sne.s32 s13, $0x100;
	v11 =	vsel vm1, v15, v18;
	v12 =	vsel vm2, v15, v19  }
0x90: {  	p1 =	sne.s32 s11, $0x3;
	vm1 =	veq.s32 v10, v6;
	v13 =	vsel vm0, v15, v16;
	v9 =	vmov s17;
	s19 =	sor.u32 $0x1, s17;
	s17 =	sor.u32 $0x2, s17;
	[tilespmem:s10+$0xFFFFFFE0] =	vst v11  }
0x91: {  	s11 =	smov.u32 s16;
	v14 =	vsel vm1, v15, v17;
	v11 =	vmov s19;
	v10 =	vmov s17;
	[tilespmem:s10+$0xFFFFFFF0] =	vst v12;
	s17 =	sand.u32 @!p1 $0xFC0, s12;
	s12 =	smov.u32 s15  }
0x92: {  	v12 =	vmov s18;
	[tilespmem:s10+$0x0] =	vst v14;
	s16 =	sshrl.u32 @!p1 s17, $0x2  }
0x93: {  	[tilespmem:s10+$0x10] =	vst v13;
	s10 =	smov.u32 s14  }
0x94: {  	[tilespmem:s16+$0x8000] =	vst @!p1 v8  }
0x95: {  	v14 =	vld [tilespmem:s14+$0xFFFFFFE0]  }
0x96: {  	v15 =	vld [tilespmem:s14+$0x10]  }
0x97: {  	v16 =	vld [tilespmem:s14+$0x0]  }
0x98: {  	v17 =	vld [tilespmem:s14+$0xFFFFFFF0];
	_ =	sdelay $0x3  }
0x99: {  	v13 =	vmax.f32 v16, v15  }
0x9a: {  	v18 =	vmax.f32 v14, v17  }
0x9b: {  	v13 =	vmax.f32 v18, v13  }
0x9c: {  	v18 =	vperm.xlane v13, v0;
	_ =	sdelay $0x1  }
0x9d: {  	v13 =	vmax.f32 v13, v18  }
0x9e: {  	v18 =	vperm.xlane v13, v1;
	_ =	sdelay $0x1  }
0x9f: {  	v13 =	vmax.f32 v13, v18  }
0xa0: {  	v18 =	vperm.xlane v13, v2;
	_ =	sdelay $0x1  }
0xa1: {  	v13 =	vmax.f32 v13, v18  }
0xa2: {  	v18 =	vperm.xlane v13, v3;
	_ =	sdelay $0x1  }
0xa3: {  	v18 =	vmax.f32 v13, v18  }
0xa4: {  	vm0 =	veq.f32 v14, v18;
	vm1 =	veq.f32 v17, v18;
	vm2 =	veq.f32 v15, v18  }
0xa5: {  	vm3 =	veq.f32 v16, v18;
	v13 =	vnsel vm2, $0x40, v5  }
0xa6: {  	v13 =	vsel vm3, v6, v13  }
0xa7: {  	v13 =	vsel vm1, v7, v13  }
0xa8: {  	v13 =	vsel vm0, v4, v13  }
0xa9: {  	v19 =	vperm.xlane v13, v0;
	_ =	sdelay $0x1  }
0xaa: {  	vm0 =	vlt.s32 v13, v19  }
0xab: {  	v13 =	vsel vm0, v13, v19  }
0xac: {  	v19 =	vperm.xlane v13, v1;
	_ =	sdelay $0x1  }
0xad: {  	vm0 =	vlt.s32 v13, v19  }
0xae: {  	v13 =	vsel vm0, v13, v19  }
0xaf: {  	v19 =	vperm.xlane v13, v2;
	_ =	sdelay $0x1  }
0xb0: {  	vm0 =	vlt.s32 v13, v19  }
0xb1: {  	v13 =	vsel vm0, v13, v19  }
0xb2: {  	v19 =	vperm.xlane v13, v3;
	_ =	sdelay $0x1  }
0xb3: {  	vm0 =	vlt.s32 v13, v19  }
0xb4: {  	v13 =	vsel vm0, v13, v19  }
0xb5: {  	vm0 =	veq.s32 v13, v4;
	vm1 =	veq.s32 v13, v7;
	vm2 =	veq.s32 v13, v6  }
0xb6: {  	vm3 =	veq.s32 v13, v5;
	v19 =	vsel vm0, $0xFF800000, v14;
	v17 =	vsel vm1, $0xFF800000, v17  }
0xb7: {  	v16 =	vsel vm2, $0xFF800000, v16;
	v15 =	vsel vm3, $0xFF800000, v15;
	v14 =	vmax.f32 v19, v17  }
0xb8: {  	v20 =	vnsel vm0, $0x0, v18;
	v21 =	vnsel vm3, $0x0, v18;
	v22 =	vmax.f32 v16, v15  }
0xb9: {  	v23 =	vnsel vm1, $0x0, v18;
	v18 =	vnsel vm2, $0x0, v18;
	v14 =	vmax.f32 v14, v22  }
0xba: {  	v22 =	vperm.xlane v14, v0;
	_ =	sdelay $0x1  }
0xbb: {  	v14 =	vmax.f32 v14, v22  }
0xbc: {  	v22 =	vperm.xlane v14, v1;
	_ =	sdelay $0x1  }
0xbd: {  	v14 =	vmax.f32 v14, v22  }
0xbe: {  	v22 =	vperm.xlane v14, v2;
	_ =	sdelay $0x1  }
0xbf: {  	v14 =	vmax.f32 v14, v22  }
0xc0: {  	v22 =	vperm.xlane v14, v3;
	_ =	sdelay $0x1  }
0xc1: {  	v22 =	vmax.f32 v14, v22  }
0xc2: {  	vm0 =	veq.f32 v17, v22;
	vm1 =	veq.f32 v16, v22;
	vm2 =	veq.f32 v15, v22  }
0xc3: {  	vm3 =	veq.f32 v19, v22;
	v14 =	vnsel vm2, $0x40, v5  }
0xc4: {  	v14 =	vsel vm1, v6, v14  }
0xc5: {  	v14 =	vsel vm0, v7, v14  }
0xc6: {  	v14 =	vsel vm3, v4, v14  }
0xc7: {  	v24 =	vperm.xlane v14, v0;
	_ =	sdelay $0x1  }
0xc8: {  	vm0 =	vlt.s32 v14, v24  }
0xc9: {  	v14 =	vsel vm0, v14, v24  }
0xca: {  	v24 =	vperm.xlane v14, v1;
	_ =	sdelay $0x1  }
0xcb: {  	vm0 =	vlt.s32 v14, v24  }
0xcc: {  	v14 =	vsel vm0, v14, v24  }
0xcd: {  	v24 =	vperm.xlane v14, v2;
	_ =	sdelay $0x1  }
0xce: {  	vm0 =	vlt.s32 v14, v24  }
0xcf: {  	v14 =	vsel vm0, v14, v24  }
0xd0: {  	v24 =	vperm.xlane v14, v3;
	_ =	sdelay $0x1  }
0xd1: {  	vm0 =	vlt.s32 v14, v24  }
0xd2: {  	v14 =	vsel vm0, v14, v24  }
0xd3: {  	vm0 =	veq.s32 v14, v4;
	vm1 =	veq.s32 v14, v7;
	vm2 =	veq.s32 v14, v6  }
0xd4: {  	vm3 =	veq.s32 v14, v5;
	v19 =	vsel vm0, $0xFF800000, v19;
	v17 =	vsel vm1, $0xFF800000, v17  }
0xd5: {  	v16 =	vsel vm2, $0xFF800000, v16;
	v15 =	vsel vm3, $0xFF800000, v15;
	v24 =	vmax.f32 v19, v17  }
0xd6: {  	v20 =	vsel vm0, v22, v20;
	v21 =	vsel vm3, v22, v21;
	v25 =	vmax.f32 v16, v15  }
0xd7: {  	v23 =	vsel vm1, v22, v23;
	v22 =	vsel vm2, v22, v18;
	v18 =	vmax.f32 v24, v25  }
0xd8: {  	v24 =	vperm.xlane v18, v0;
	_ =	sdelay $0x1  }
0xd9: {  	v18 =	vmax.f32 v18, v24  }
0xda: {  	v24 =	vperm.xlane v18, v1;
	_ =	sdelay $0x1  }
0xdb: {  	v18 =	vmax.f32 v18, v24  }
0xdc: {  	v24 =	vperm.xlane v18, v2;
	_ =	sdelay $0x1  }
0xdd: {  	v18 =	vmax.f32 v18, v24  }
0xde: {  	v24 =	vperm.xlane v18, v3;
	_ =	sdelay $0x1  }
0xdf: {  	v24 =	vmax.f32 v18, v24  }
0xe0: {  	vm0 =	veq.f32 v17, v24;
	vm1 =	veq.f32 v16, v24;
	vm2 =	veq.f32 v15, v24  }
0xe1: {  	vm3 =	veq.f32 v19, v24;
	v18 =	vnsel vm2, $0x40, v5  }
0xe2: {  	v18 =	vsel vm1, v6, v18  }
0xe3: {  	v18 =	vsel vm0, v7, v18  }
0xe4: {  	v18 =	vsel vm3, v4, v18  }
0xe5: {  	v25 =	vperm.xlane v18, v0;
	_ =	sdelay $0x1  }
0xe6: {  	vm0 =	vlt.s32 v18, v25  }
0xe7: {  	v18 =	vsel vm0, v18, v25  }
0xe8: {  	v25 =	vperm.xlane v18, v1;
	_ =	sdelay $0x1  }
0xe9: {  	vm0 =	vlt.s32 v18, v25  }
0xea: {  	v18 =	vsel vm0, v18, v25  }
0xeb: {  	v25 =	vperm.xlane v18, v2;
	_ =	sdelay $0x1  }
0xec: {  	vm0 =	vlt.s32 v18, v25  }
0xed: {  	v18 =	vsel vm0, v18, v25  }
0xee: {  	v25 =	vperm.xlane v18, v3;
	_ =	sdelay $0x1  }
0xef: {  	vm0 =	vlt.s32 v18, v25  }
0xf0: {  	v25 =	vsel vm0, v18, v25  }
0xf1: {  	vm0 =	veq.s32 v25, v4;
	vm1 =	veq.s32 v25, v7;
	vm2 =	veq.s32 v25, v6  }
0xf2: {  	vm3 =	veq.s32 v25, v5;
	v26 =	vsel vm0, $0xFF800000, v19;
	v27 =	vsel vm1, $0xFF800000, v17  }
0xf3: {  	v28 =	vsel vm2, $0xFF800000, v16;
	v29 =	vsel vm3, $0xFF800000, v15;
	v15 =	vmax.f32 v26, v27  }
0xf4: {  	v18 =	vsel vm0, v24, v20;
	v16 =	vsel vm3, v24, v21;
	v20 =	vmax.f32 v28, v29  }
0xf5: {  	v19 =	vsel vm1, v24, v23;
	v17 =	vsel vm2, v24, v22;
	v15 =	vmax.f32 v15, v20  }
0xf6: {  	v20 =	vperm.xlane v15, v0;
	_ =	sdelay $0x1  }
0xf7: {  	v15 =	vmax.f32 v15, v20  }
0xf8: {  	v20 =	vperm.xlane v15, v1;
	_ =	sdelay $0x1  }
0xf9: {  	v15 =	vmax.f32 v15, v20  }
0xfa: {  	v20 =	vperm.xlane v15, v2;
	_ =	sdelay $0x1  }
0xfb: {  	v15 =	vmax.f32 v15, v20  }
0xfc: {  	v20 =	vperm.xlane v15, v3;
	_ =	sdelay $0x1  }
0xfd: {  	v15 =	vmax.f32 v15, v20  }
0xfe: {  	vm0 =	veq.f32 v26, v15;
	vm1 =	veq.f32 v27, v15;
	vm2 =	veq.f32 v29, v15  }
0xff: {  	vm3 =	veq.f32 v28, v15;
	v20 =	vnsel vm2, $0x40, v5  }
0x100: {  	v20 =	vsel vm3, v6, v20  }
0x101: {  	v20 =	vsel vm1, v7, v20  }
0x102: {  	v20 =	vsel vm0, v4, v20  }
0x103: {  	v21 =	vperm.xlane v20, v0;
	_ =	sdelay $0x1  }
0x104: {  	vm0 =	vlt.s32 v20, v21  }
0x105: {  	v20 =	vsel vm0, v20, v21  }
0x106: {  	v21 =	vperm.xlane v20, v1;
	_ =	sdelay $0x1  }
0x107: {  	vm0 =	vlt.s32 v20, v21  }
0x108: {  	v20 =	vsel vm0, v20, v21  }
0x109: {  	v21 =	vperm.xlane v20, v2;
	_ =	sdelay $0x1  }
0x10a: {  	vm0 =	vlt.s32 v20, v21  }
.Ltmp0:
0x10b: {  	vm1 =	veq.s32 v9, v4;
	v9 =	vsel vm0, v20, v21;
	(pc) =	sbr.rel @p0 .LBB2_2-.Ltmp0, $4  }
0x10c: {  	v8 =	vsel vm1, v13, v8;
	vm0 =	veq.s32 v11, v4;
	v11 =	vperm.xlane v9, v3  }
0x10d: {  	v8 =	vsel vm0, v14, v8;
	vm0 =	veq.s32 v10, v4  }
0x10e: {  	v8 =	vsel vm0, v25, v8;
	vm0 =	veq.s32 v12, v4;
	vm1 =	vlt.s32 v9, v11  }
0x10f: {  	s14 =	sadd.s32 $0x80, s14;
	v10 =	vsel vm1, v9, v11  }
0x110: {  	vm1 =	veq.s32 v10, v4  }
0x111: {  	vm2 =	veq.s32 v10, v7;
	v9 =	vsel vm1, v15, v18  }
0x112: {  	vm14 =	veq.s32 v10, v6;
	v11 =	vsel vm2, v15, v19;
	[tilespmem:s10+$0xFFFFFFE0] =	vst v9  }
0x113: {  	vm15 =	veq.s32 v10, v5;
	p0 =	sne.s32 s11, $0x3;
	v62 =	vsel vm14, v15, v17;
	[tilespmem:s10+$0xFFFFFFF0] =	vst v11  }
0x114: {  	v63 =	vsel vm15, v15, v16;
	s11 =	sand.u32 @!p0 $0xFC0, s12;
	[tilespmem:s10+$0x0] =	vst v62  }
0x115: {  	v8 =	vsel vm0, v10, v8;
	s11 =	sshrl.u32 @!p0 s11, $0x2;
	[tilespmem:s10+$0x10] =	vst v63  }
0x116: {  	[tilespmem:s11+$0x8000] =	vst @!p0 v8  }
0x117: {  	[hbm4b:s4+s2] =	stream.linear.scatter [tilespmem:s2], [sflag:$0x1], $0x8000, $0x38;
	[tilespmem:$0x8400] =	vst v63  }
0x118: {  	s9 =	sadd.s32 $0x1, s9;
	_ =	swait.ge [sflag:s7], $0x8000  }
0x119: {  	p0 =	sne.s32 s9, s6;
	[sflag:s7] =	ssyncset.done $0x0  }
.Ltmp1:
0x11a: {  	[sflag:s7] =	ssyncadd.s32 $0xFFFF8000;
	(pc) =	sbr.rel @p0 .LBB2_1-.Ltmp1, $4  }
0x11b: {  	[hbm4b:s5+s2] =	stream.linear.scatter [tilespmem:s8], [sflag:$0x1], $0x400, $0x38;
	[tilespmem:$0x8400] =	vst v63  }
0x11c: {  	_ =	swait.ge [sflag:s7], $0x400  }
0x11d: {  	[sflag:s7] =	ssyncset.done $0x0  }
0x11e: {  	[sflag:s7] =	ssyncadd.s32 $0xFFFFFC00  }
0x11f: {  	_ =	sfence.sel $0x180000  }
0x120: {  	[bflag:$0x0] =	sbarrier.arrive $0xFFFF  }
0x121: {  	p0 =	sne.s32 s0, $0x0;
	_ =	strace $0x9000004A  }
0x122: {  	s0 =	sadd.s32 @!p0 $0x100000, s1;
	[bflag:$0x2] =	sbarrier.arrive $0xFFFF  }
0x123: {  	[sflag:s0] =	ssyncadd.tile.s32 @!p0 $0x1;
	_ =	shalt  }
.Lfunc_end2:
_tile_overlayer_lowered:
.L_overlay_start_2:
0x124: {  	(tag) =	ssettag $0x2  }
0x125: {  	s0 =	rddreg [dreg:$0x0];
	s2 =	stileid.u32  }
0x126: {  	s1 =	rddreg [dreg:$0x1];
	p0 =	sne.s32 s2, $0x0  }
0x127: {  	s3 =	rddreg [dreg:$0x2];
	[bflag:$0x3] =	sbarrier.arrive $0xFFFF;
	s2 =	simm.s32 @!p0 $0x1C01  }
0x128: {  	[timem:s3], [sflag:s2] =	dma.local @!p0 [hbm:s0], s1  }
0x129: {  	s0 =	simm.s32 @!p0 $0x1  }
0x12a: {  	_ =	swait.ge @!p0 [sflag:s0], s1  }
0x12b: {  	s1 =	ssub.s32 @!p0 $0x0, s1;
	[sflag:s0] =	ssyncset.done @!p0 $0x0  }
0x12c: {  	[sflag:s0] =	ssyncadd.s32 @!p0 s1  }
0x12d: {  	[bflag:$0x3] =	sbarrier.arrive $0xFFFF  }
0x12e: {  	_ =	shalt  }

// kernel: kernel.9.cloned.1.call-start
scs
__scs_entry_jumppad:
0x0: {  	(pc) =	sbr.rel $0x88, $3  }
0x1: {  	(tag) =	ssettag $0x0;
	lr =	simm.s32 $0x1  }
0x2: {  	[smem:$0x3F9E] =	sst lr;
	_ =	strace $0xD0000000  }
0x3: {  	_ = 	snop  }
0x4: {  	_ = 	snop  }
0x5: {  	_ = 	snop  }
0x6: {  	_ = 	snop  }
0x7: {  	_ = 	snop  }
__scs_overlays_trampoline_lowered:
0x8: {  	[smem:$0x3FAD] =	sst s0  }
0x9: {  	[smem:$0x3FAE] =	sst s1  }
0xa: {  	[smem:$0x3FAF] =	sst s2  }
0xb: {  	[smem:$0x3FB0] =	sst s3  }
0xc: {  	[smem:$0x3FB1] =	sst s4  }
0xd: {  	[smem:$0x3FB2] =	sst s5  }
0xe: {  	[smem:$0x3FB3] =	sst s6  }
0xf: {  	[smem:$0x3FB4] =	sst s7  }
0x10: {  	[smem:$0x3FB5] =	sst s8  }
0x11: {  	[smem:$0x3FB6] =	sst s9;
	s0 =	simm.s32 @!p0 $0x0  }
0x12: {  	s1 =	sld [smem:$0x3F9C];
	s0 =	simm.s32 @p0 $0x1  }
0x13: {  	[smem:$0x3FB7] =	sst s0;
	s0 =	simm.s32 @!p1 $0x0  }
0x14: {  	s2 =	sld [smem:$0x3F9B];
	s0 =	simm.s32 @p1 $0x1  }
0x15: {  	[smem:$0x3FB8] =	sst s0;
	s0 =	simm.s32 @!p2 $0x0  }
0x16: {  	s3 =	sld [smem:$0x3FDB];
	s0 =	simm.s32 @p2 $0x1  }
0x17: {  	s4 =	simm.s32 $0x1BF5;
	[smem:$0x3FBA] =	sst s0  }
0x18: {  	s0 =	sld [smem:$0x3F9D];
	_ =	swait.ge [sflag:s4], $0x0  }
0x19: {  	s7 =	sld [smem:$0x3F9E]  }
0x1a: {  	s8 =	sadd.s32 $0xFFFFE003, lr  }
0x1b: {  	s9 =	sadd.s32 $0xFFFFFEF7, lr;
	s5 =	simm.s32 $0xFFFFFFFF;
	p2 =	slt.u32 s8, $0xFFFFF086  }
0x1c: {  	p1 =	slt.u32 s9, $0xF7A;
	s5 =	simm.s32 @!p2 $0x0  }
0x1d: {  	s5 =	simm.s32 @p1 $0x1;
	p0 =	seq.s32 s7, s2  }
0x1e: {  	s7 =	smul.u32 @!p0 $0xF7A, s2;
	p2 =	seq.s32 @!p0 s5, $0x0  }
0x1f: {  	s9 =	smul.u32 $0xF7A, s1;
	s8 =	simm.s32 @!p0 $0x1BF5;
	p2 =	por !p2, p0  }
0x20: {  	[sflag:s8] =	ssyncset.s32 @!p0 $0xFFFFF086;
	s6 =	sadd.s32 @!p0 s3, s7;
	s7 =	simm.s32 @!p0 $0x108  }
0x21: {  	s3 =	sadd.s32 s3, s9;
	s6 =	sadd.s32 @!p0 $0x88, s6;
	s7 =	simm.s32 @p2 $0x1082  }
0x22: {  	[simem:s7], [sflag:s8] =	dma.local @!p0 [hbm:s6], $0xF7A  }
0x23: {  	s9 =	sor.u32 $0xD0000000, s2;
	s6 =	simm.s32 $0x108;
	_ =	swait.ge @!p0 [sflag:s8], $0x0  }
0x24: {  	s3 =	sadd.s32 $0x88, s3;
	s6 =	simm.s32 @!p1 $0x1082;
	[sflag:s4] =	ssyncset.s32 $0xFFFFF086  }
0x25: {  	[simem:s6], [sflag:s4] =	dma.local [hbm:s3], $0xF7A  }
0x26: {  	[smem:$0x3F9E] =	sst s1;
	(tag) =	ssettag s2;
	_ =	strace s9  }
0x27: {  	s1 =	sld [smem:$0x3FAE]  }
0x28: {  	s2 =	sld [smem:$0x3FAF]  }
0x29: {  	s4 =	sld [smem:$0x3FB1]  }
0x2a: {  	p0 =	seq.s32 s5, $0x0;
	s5 =	sld [smem:$0x3FB2]  }
0x2b: {  	s6 =	sld [smem:$0x3FB3]  }
0x2c: {  	s7 =	sld [smem:$0x3FB4]  }
0x2d: {  	s3 =	simm.s32 $0x108;
	s8 =	sld [smem:$0x3FB5]  }
0x2e: {  	s3 =	simm.s32 @!p0 $0x1082;
	s9 =	sld [smem:$0x3FB6]  }
0x2f: {  	lr =	sadd.s32 s0, s3;
	s0 =	sld [smem:$0x3FAD]  }
0x30: {  	s3 =	sld [smem:$0x3FB0]  }
0x31: {  	[smem:$0x3FB9] =	sst s10  }
0x32: {  	s10 =	sld [smem:$0x3FB7];
	_ =	sdelay $0x3  }
0x33: {  	p0 =	seq.s32 s10, $0x1;
	s10 =	sld [smem:$0x3FB9];
	_ =	sdelay $0x3  }
0x34: {  	[smem:$0x3FB9] =	sst s10  }
0x35: {  	s10 =	sld [smem:$0x3FB8];
	_ =	sdelay $0x3  }
0x36: {  	p1 =	seq.s32 s10, $0x1;
	s10 =	sld [smem:$0x3FB9];
	_ =	sdelay $0x3  }
0x37: {  	[smem:$0x3FB9] =	sst s10  }
0x38: {  	s10 =	sld [smem:$0x3FBA]  }
0x39: {  	_ = 	snop;
	(pc) =	sbr.ind lr, $3  }
0x3a: {  	_ = 	snop  }
0x3b: {  	_ = 	snop  }
0x3c: {  	p2 =	seq.s32 s10, $0x1;
	s10 =	sld [smem:$0x3FB9]  }
0x3d: {  	_ =	shalt  }
0x3e: {  	_ =	shalt  }
0x3f: {  	_ =	shalt  }
0x40: {  	_ =	shalt  }
0x41: {  	_ =	shalt  }
0x42: {  	_ =	shalt  }
0x43: {  	_ =	shalt  }
0x44: {  	_ =	shalt  }
0x45: {  	_ =	shalt  }
0x46: {  	_ =	shalt  }
0x47: {  	_ =	shalt  }
0x48: {  	_ =	shalt  }
0x49: {  	_ =	shalt  }
0x4a: {  	_ =	shalt  }
0x4b: {  	_ =	shalt  }
0x4c: {  	_ =	shalt  }
0x4d: {  	_ =	shalt  }
0x4e: {  	_ =	shalt  }
0x4f: {  	_ =	shalt  }
0x50: {  	_ =	shalt  }
0x51: {  	_ =	shalt  }
0x52: {  	_ =	shalt  }
0x53: {  	_ =	shalt  }
0x54: {  	_ =	shalt  }
0x55: {  	_ =	shalt  }
0x56: {  	_ =	shalt  }
0x57: {  	_ =	shalt  }
0x58: {  	_ =	shalt  }
0x59: {  	_ =	shalt  }
0x5a: {  	_ =	shalt  }
0x5b: {  	_ =	shalt  }
0x5c: {  	_ =	shalt  }
0x5d: {  	_ =	shalt  }
0x5e: {  	_ =	shalt  }
0x5f: {  	_ =	shalt  }
0x60: {  	_ =	shalt  }
0x61: {  	_ =	shalt  }
0x62: {  	_ =	shalt  }
0x63: {  	_ =	shalt  }
0x64: {  	_ =	shalt  }
0x65: {  	_ =	shalt  }
0x66: {  	_ =	shalt  }
0x67: {  	_ =	shalt  }
0x68: {  	_ =	shalt  }
0x69: {  	_ =	shalt  }
0x6a: {  	_ =	shalt  }
0x6b: {  	_ =	shalt  }
0x6c: {  	_ =	shalt  }
0x6d: {  	_ =	shalt  }
0x6e: {  	_ =	shalt  }
0x6f: {  	_ =	shalt  }
0x70: {  	_ =	shalt  }
0x71: {  	_ =	shalt  }
0x72: {  	_ =	shalt  }
0x73: {  	_ =	shalt  }
0x74: {  	_ =	shalt  }
0x75: {  	_ =	shalt  }
0x76: {  	_ =	shalt  }
0x77: {  	_ =	shalt  }
0x78: {  	_ =	shalt  }
0x79: {  	_ =	shalt  }
0x7a: {  	_ =	shalt  }
0x7b: {  	_ =	shalt  }
0x7c: {  	_ =	shalt  }
0x7d: {  	_ =	shalt  }
0x7e: {  	_ =	shalt  }
0x7f: {  	_ =	shalt  }
0x80: {  	_ =	shalt  }
0x81: {  	_ =	shalt  }
0x82: {  	_ =	shalt  }
0x83: {  	_ =	shalt  }
0x84: {  	_ =	shalt  }
0x85: {  	_ =	shalt  }
0x86: {  	_ =	shalt  }
0x87: {  	_ =	shalt  }
.Lfunc_end0:
.L_simem_size_0:
called_computation.1_lowered:
.L_overlay_start_0:
0x88: {  	s2 =	sld [smem:$0x3FD9]  }
0x89: {  	s3 =	sld [smem:$0x3FFE];
	_ =	sdelay $0x1  }
0x8a: {  	s1 =	srdreg.scid  }
0x8b: {  	s0 =	sand.u32 $0x1, s1  }
0x8c: {  	s14 =	sshll.u32 s0, $0xA;
	s2 =	sadd.s32 s3, s2  }
0x8d: {  	s2 =	sadd.s32 s2, s14  }
0x8e: {  	[smem:$0x3FC5] =	sst s2  }
0x8f: {  	_ = 	snop  }
0x90: {  	s2 =	sld [smem:$0x3FD0];
	_ =	sdelay $0x2  }
0x91: {  	s15 =	simm.s32 $0xB;
	s4 =	simm.s32 $0x10  }
0x92: {  	[smem:s4], [sflag:s15] =	dma.local [hbm:s2], $0x1  }
0x93: {  	_ =	swait.eq [sflag:s15], $0x1  }
0x94: {  	[sflag:s15] =	ssyncset.done $0x0  }
0x95: {  	[sflag:s15] =	ssyncadd.s32 $0xFFFFFFFF  }
0x96: {  	s16 =	sld [smem:$0x10];
	(tm) =	ssettm $0x1  }
0x97: {  	s17 =	sld [smem:$0x3FFB];
	_ =	sdelay $0x3  }
0x98: {  	_ =	strace s17  }
0x99: {  	s3 =	sld [smem:$0x3FFC];
	_ =	sdelay $0x3  }
0x9a: {  	_ =	strace s3  }
0x9b: {  	s3 =	sld [smem:$0x3FFD];
	_ =	sdelay $0x3  }
0x9c: {  	_ =	strace s3  }
0x9d: {  	_ =	strace $0x8FFFFFFF  }
0x9e: {  	s18 =	sld [smem:$0x3FDB];
	_ =	sdelay $0x1  }
0x9f: {  	s19 =	simm.s32 $_scs_section_size  }
0xa0: {  	s5 =	simm.s32 $_size__tile_overlayer_lowered;
	s6 =	simm.s32 $_tile_overlayer_lowered  }
0xa1: {  	s22 =	simm.s32 $0x1BFF;
	s21 =	sshll.u32 s6, $0x1;
	s3 =	sadd.s32 s19, s18  }
0xa2: {  	s7 =	simm.s32 $0x0;
	s20 =	sshll.u32 s5, $0x1;
	s5 =	sadd.s32 s21, s3  }
0xa3: {  	[timem:s7], [sflag:s22] =	dma.local [hbm:s5], s20  }
0xa4: {  	_ =	swait.ge [sflag:s22], s20  }
0xa5: {  	s4 =	ssub.s32 $0x0, s20;
	[sflag:s22] =	ssyncset.done $0x0  }
0xa6: {  	[sflag:s22] =	ssyncadd.s32 s4;
	_ =	sdelay $0x1  }
0xa7: {  	s23 =	simm.s32 $0x1B8B  }
0xa8: {  	_ =	swait.ge [sflag:s23], $0x1  }
0xa9: {  	[sflag:s23] =	ssyncset.done $0x0  }
0xaa: {  	s25 =	simm.s32 $0x1B8E;
	s24 =	sld [smem:$0x3FFE];
	[sflag:s23] =	ssyncadd.s32 $0xFFFFFFFF  }
0xab: {  	s26 =	simm.s32 $execute0_lowered;
	[smem:$0x3FD2] =	sst s25  }
0xac: {  	s5 =	sshll.u32 s26, $0x1;
	_ =	strace $0x80000046;
	[dreg:$0x1] =	wrdreg $0xFFFFFFFF  }
0xad: {  	s28 =	simm.s32 $_size_execute0_lowered;
	s3 =	sadd.s32 s3, s5;
	[dreg:$0x0] =	wrdreg $0x0  }
0xae: {  	s5 =	sshll.u32 s28, $0x1;
	[dreg:$0x2] =	wrdreg s3  }
0xaf: {  	[dreg:$0x3] =	wrdreg s5  }
0xb0: {  	[dreg:$0x4] =	wrdreg $0xC0  }
0xb1: {  	_ =	task [dreg:s7], $0x5FFFF  }
0xb2: {  	[dreg:$0x1] =	wrdreg $0xFFFFFFFF  }
0xb3: {  	[dreg:$0x0] =	wrdreg $0x60  }
0xb4: {  	[dreg:$0x2] =	wrdreg s16  }
0xb5: {  	[dreg:$0x3] =	wrdreg s24  }
0xb6: {  	[dreg:$0x4] =	wrdreg $0xA  }
0xb7: {  	_ =	task.clear_ibuf [dreg:s7], $0x5FFFF;
	_ =	strace $0x90000046  }
0xb8: {  	s29 =	simm.s32 $0xA;
	_ =	strace $0x80000048  }
0xb9: {  	_ =	swait.ge [sflag:s29], $0x1  }
0xba: {  	[sflag:s29] =	ssyncadd.s32 $0xFFFFFFFF  }
0xbb: {  	_ =	strace $0x90000048  }
0xbc: {  	_ =	sfence  }
0xbd: {  	s30 =	sld [smem:$0x0];
	_ =	sdelay $0x2  }
0xbe: {  	s31 =	sshll.u32 s1, $0xD;
	s1 =	sshrl.u32 s1, $0x2  }
0xbf: {  	s3 =	sand.u32 $0x4000, s31;
	s1 =	sadd.s32 s1, s30  }
0xc0: {  	s0 =	sor.u32 s3, s0;
	s1 =	sshll.u32 s1, $0x11  }
0xc1: {  	s0 =	sor.u32 s1, s0  }
0xc2: {  	s0 =	sadd.s32 $0x8F2B, s0  }
0xc3: {  	[sflag:s0] =	ssyncadd.remote.s32 $0x1  }
0xc4: {  	_ =	sfence.sel $0xFFFF  }
0xc5: {  	[dreg:$0x0] =	wrdreg $0xFFFFFFFF;
	(pc) =	sbr.abs _section_cstart, $3  }
0xc6: {  	[dreg:$0x1] =	wrdreg $0xFFFFFFFF  }
0xc7: {  	_ =	task.clear_ibuf [dreg:s7], $0x2FFFF;
	_ =	strace $0x9FFFFFFF  }
0xc8: {  	(tm) =	ssettm $0x7FFFFFFF  }
0xc9: {  	_ =	shalt  }
tec
execute0_lowered:
.L_overlay_start_1:
0x0: {  	(tag) =	ssettag $0x1  }
0x1: {  	v0 =	vimm.s32 $0xFEDCBA98;
	v1 =	vimm.s32 $0x76543210  }
0x2: {  	v2 =	vimm.s32 $0xBA98FEDC;
	v3 =	vimm.s32 $0x32107654;
	v4 =	vimm.s32 $0xDCFE98BA  }
0x3: {  	s3 =	rddreg [dreg:$0x0];
	v5 =	vimm.s32 $0x54761032;
	v6 =	vimm.s32 $0xEFCDAB89;
	v7 =	vimm.s32 $0x67452301  }
0x4: {  	s4 =	rddreg [dreg:$0x1];
	v0 =	vunpack.c.l.s4.s8 v0;
	v1 =	vunpack.c.l.s4.s8 v1;
	v2 =	vunpack.c.l.s4.s8 v2  }
0x5: {  	s0 =	rddreg [dreg:$0x2];
	v3 =	vunpack.c.l.s4.s8 v3;
	v4 =	vunpack.c.l.s4.s8 v4;
	v5 =	vunpack.c.l.s4.s8 v5  }
0x6: {  	s5 =	srdreg.scid;
	s1 =	stileid.u32;
	v6 =	vunpack.c.l.s4.s8 v6;
	v7 =	vunpack.c.l.s4.s8 v7;
	v0 =	vunpack.c.0.s8.s32 v0  }
0x7: {  	s2 =	simm.s32 $0x0;
	s5 =	sand.u32 $0x1, s5;
	s6 =	sshll.u32 s1, $0x1;
	v2 =	vunpack.c.0.s8.s32 v2;
	v3 =	vunpack.c.0.s8.s32 v3;
	v4 =	vunpack.c.0.s8.s32 v4  }
0x8: {  	[smem:$0x7FF] =	sst s2;
	s6 =	sor.u32 s5, s6;
	v5 =	vunpack.c.0.s8.s32 v5;
	v6 =	vunpack.c.0.s8.s32 v6;
	v7 =	vunpack.c.0.s8.s32 v7  }
0x9: {  	_ =	strace $0x80000047;
	s5 =	ssub.s32 $0x2, s5;
	s7 =	sshll.u32 s6, $0xC;
	v1 =	vunpack.c.0.s8.s32 v1;
	v2 =	vcombine.low v3, v2  }
0xa: {  	s6 =	sshll.u32 s6, $0x7;
	s9 =	sshrl.u32 s5, $0x1;
	s8 =	sadd.s32 s7, s4;
	v0 =	vand.u32 $0xF, v0;
	v3 =	vcombine.low v5, v4;
	v4 =	vcombine.low v7, v6  }
0xb: {  	s6 =	sadd.s32 s6, s4;
	s9 =	ssub.s32 s5, s9;
	s3 =	sadd.s32 s3, s7;
	v0 =	vcombine.low v0, v1;
	v1 =	vand.u32 $0xF, v2  }
0xc: {  	s7 =	simm.s32 $0x1;
	s4 =	sadd.s32 $0x2A00, s8;
	s5 =	sadd.s32 $0x1A00, s6;
	v2 =	vand.u32 $0xF, v3;
	v3 =	vand.u32 $0xF, v4;
	v4 =	vlaneseq.u32  }
0xd: {  	s6 =	smax.u32 s9, $0x1;
	s8 =	simm.s32 $0x8000;
	s9 =	simm.s32 $0x0;
	v5 =	vor.u32 $0x30, v4;
	v6 =	vor.u32 $0x20, v4;
	v7 =	vor.u32 $0x10, v4  }
.LBB2_1:
0xe: {  	[tilespmem:s2], [sflag:$0x1] =	stream.linear.gather [hbm4b:s3+s2], $0x8000, $0x38;
	[tilespmem:$0x8400] =	vst v63  }
0xf: {  	_ =	swait.ge [sflag:s7], $0x8000  }
0x10: {  	[sflag:s7] =	ssyncset.done $0x0  }
0x11: {  	s10 =	simm.s32 $0x20;
	[sflag:s7] =	ssyncadd.s32 $0xFFFF8000  }
0x12: {  	v10 =	vld [tilespmem:s10+$0xFFFFFFE0]  }
0x13: {  	v11 =	vld [tilespmem:s10+$0x10]  }
0x14: {  	v12 =	vld [tilespmem:s10+$0x0]  }
0x15: {  	v13 =	vld [tilespmem:s10+$0xFFFFFFF0];
	_ =	sdelay $0x4  }
0x16: {  	v8 =	vmax.f32 v12, v11;
	v9 =	vmax.f32 v10, v13  }
0x17: {  	v8 =	vmax.f32 v9, v8  }
0x18: {  	v9 =	vperm.xlane v8, v0;
	_ =	sdelay $0x1  }
0x19: {  	v8 =	vmax.f32 v8, v9  }
0x1a: {  	v9 =	vperm.xlane v8, v1;
	_ =	sdelay $0x1  }
0x1b: {  	v8 =	vmax.f32 v8, v9  }
0x1c: {  	v9 =	vperm.xlane v8, v2;
	_ =	sdelay $0x1  }
0x1d: {  	v8 =	vmax.f32 v8, v9  }
0x1e: {  	v9 =	vperm.xlane v8, v3;
	_ =	sdelay $0x1  }
0x1f: {  	v9 =	vmax.f32 v8, v9  }
0x20: {  	vm0 =	veq.f32 v11, v9  }
0x21: {  	vm1 =	veq.f32 v12, v9;
	v8 =	vnsel vm0, $0x40, v5  }
0x22: {  	vm0 =	veq.f32 v13, v9;
	v8 =	vsel vm1, v6, v8  }
0x23: {  	vm1 =	veq.f32 v10, v9;
	v8 =	vsel vm0, v7, v8  }
0x24: {  	v8 =	vsel vm1, v4, v8  }
0x25: {  	v14 =	vperm.xlane v8, v0;
	_ =	sdelay $0x1  }
0x26: {  	vm0 =	vlt.s32 v8, v14  }
0x27: {  	v8 =	vsel vm0, v8, v14  }
0x28: {  	v14 =	vperm.xlane v8, v1;
	_ =	sdelay $0x1  }
0x29: {  	vm0 =	vlt.s32 v8, v14  }
0x2a: {  	v8 =	vsel vm0, v8, v14  }
0x2b: {  	v14 =	vperm.xlane v8, v2;
	_ =	sdelay $0x1  }
0x2c: {  	vm0 =	vlt.s32 v8, v14  }
0x2d: {  	v8 =	vsel vm0, v8, v14  }
0x2e: {  	v14 =	vperm.xlane v8, v3;
	_ =	sdelay $0x1  }
0x2f: {  	vm0 =	vlt.s32 v8, v14  }
0x30: {  	v8 =	vsel vm0, v8, v14  }
0x31: {  	vm2 =	veq.s32 v8, v4;
	vm1 =	veq.s32 v8, v7  }
0x32: {  	vm0 =	veq.s32 v8, v6;
	vm3 =	veq.s32 v8, v5;
	v10 =	vsel vm2, $0xFF800000, v10  }
0x33: {  	v13 =	vsel vm1, $0xFF800000, v13;
	v12 =	vsel vm0, $0xFF800000, v12;
	v11 =	vsel vm3, $0xFF800000, v11  }
0x34: {  	v14 =	vmax.f32 v10, v13;
	v15 =	vmax.f32 v12, v11  }
0x35: {  	v14 =	vmax.f32 v14, v15  }
0x36: {  	v15 =	vperm.xlane v14, v0;
	_ =	sdelay $0x1  }
0x37: {  	v14 =	vmax.f32 v14, v15  }
0x38: {  	v15 =	vperm.xlane v14, v1;
	_ =	sdelay $0x1  }
0x39: {  	v14 =	vmax.f32 v14, v15  }
0x3a: {  	v15 =	vperm.xlane v14, v2;
	_ =	sdelay $0x1  }
0x3b: {  	v14 =	vmax.f32 v14, v15  }
0x3c: {  	v15 =	vperm.xlane v14, v3;
	_ =	sdelay $0x1  }
0x3d: {  	v14 =	vmax.f32 v14, v15  }
0x3e: {  	vm4 =	veq.f32 v11, v14  }
0x3f: {  	vm5 =	veq.f32 v12, v14;
	v15 =	vnsel vm4, $0x40, v5  }
0x40: {  	vm10 =	veq.f32 v13, v14;
	v15 =	vsel vm5, v6, v15  }
0x41: {  	vm11 =	veq.f32 v10, v14;
	v15 =	vsel vm10, v7, v15  }
0x42: {  	v15 =	vsel vm11, v4, v15  }
0x43: {  	v16 =	vperm.xlane v15, v0;
	_ =	sdelay $0x1  }
0x44: {  	vm12 =	vlt.s32 v15, v16  }
0x45: {  	v15 =	vsel vm12, v15, v16  }
0x46: {  	v16 =	vperm.xlane v15, v1;
	_ =	sdelay $0x1  }
0x47: {  	vm4 =	vlt.s32 v15, v16  }
0x48: {  	v15 =	vsel vm4, v15, v16  }
0x49: {  	v16 =	vperm.xlane v15, v2;
	_ =	sdelay $0x1  }
0x4a: {  	vm4 =	vlt.s32 v15, v16  }
0x4b: {  	v15 =	vsel vm4, v15, v16  }
0x4c: {  	v16 =	vperm.xlane v15, v3;
	_ =	sdelay $0x1  }
0x4d: {  	vm4 =	vlt.s32 v15, v16  }
0x4e: {  	v20 =	vsel vm4, v15, v16  }
0x4f: {  	vm6 =	veq.s32 v20, v4;
	vm4 =	veq.s32 v20, v7  }
0x50: {  	vm5 =	veq.s32 v20, v6;
	vm7 =	veq.s32 v20, v5;
	v10 =	vsel vm6, $0xFF800000, v10  }
0x51: {  	v13 =	vsel vm4, $0xFF800000, v13;
	v12 =	vsel vm5, $0xFF800000, v12;
	v11 =	vsel vm7, $0xFF800000, v11  }
0x52: {  	v15 =	vmax.f32 v10, v13;
	v16 =	vmax.f32 v12, v11  }
0x53: {  	v15 =	vmax.f32 v15, v16  }
0x54: {  	v16 =	vperm.xlane v15, v0;
	_ =	sdelay $0x1  }
0x55: {  	v15 =	vmax.f32 v15, v16  }
0x56: {  	v16 =	vperm.xlane v15, v1;
	_ =	sdelay $0x1  }
0x57: {  	v15 =	vmax.f32 v15, v16  }
0x58: {  	v16 =	vperm.xlane v15, v2;
	_ =	sdelay $0x1  }
0x59: {  	v15 =	vmax.f32 v15, v16  }
0x5a: {  	v16 =	vperm.xlane v15, v3;
	_ =	sdelay $0x1  }
0x5b: {  	v17 =	vmax.f32 v15, v16  }
0x5c: {  	vm8 =	veq.f32 v11, v17  }
0x5d: {  	vm9 =	veq.f32 v12, v17;
	v15 =	vnsel vm8, $0x40, v5  }
0x5e: {  	vm13 =	veq.f32 v13, v17;
	v15 =	vsel vm9, v6, v15  }
0x5f: {  	vm14 =	veq.f32 v10, v17;
	v15 =	vsel vm13, v7, v15  }
0x60: {  	v15 =	vsel vm14, v4, v15  }
0x61: {  	v16 =	vperm.xlane v15, v0;
	_ =	sdelay $0x1  }
0x62: {  	vm15 =	vlt.s32 v15, v16  }
0x63: {  	v15 =	vsel vm15, v15, v16  }
0x64: {  	v16 =	vperm.xlane v15, v1;
	_ =	sdelay $0x1  }
0x65: {  	vm8 =	vlt.s32 v15, v16  }
0x66: {  	v15 =	vsel vm8, v15, v16  }
0x67: {  	v16 =	vperm.xlane v15, v2;
	_ =	sdelay $0x1  }
0x68: {  	vm8 =	vlt.s32 v15, v16  }
0x69: {  	v15 =	vsel vm8, v15, v16  }
0x6a: {  	v16 =	vperm.xlane v15, v3;
	_ =	sdelay $0x1  }
0x6b: {  	vm8 =	vlt.s32 v15, v16  }
0x6c: {  	v21 =	vsel vm8, v15, v16  }
0x6d: {  	vm10 =	veq.s32 v21, v4;
	vm9 =	veq.s32 v21, v7  }
0x6e: {  	vm8 =	veq.s32 v21, v6;
	vm11 =	veq.s32 v21, v5;
	v10 =	vsel vm10, $0xFF800000, v10  }
0x6f: {  	v13 =	vsel vm9, $0xFF800000, v13;
	v12 =	vsel vm8, $0xFF800000, v12;
	v11 =	vsel vm11, $0xFF800000, v11  }
0x70: {  	v15 =	vmax.f32 v10, v13;
	v16 =	vmax.f32 v12, v11  }
0x71: {  	v15 =	vmax.f32 v15, v16  }
0x72: {  	v16 =	vperm.xlane v15, v0;
	_ =	sdelay $0x1  }
0x73: {  	v15 =	vmax.f32 v15, v16  }
0x74: {  	v16 =	vperm.xlane v15, v1;
	_ =	sdelay $0x1  }
0x75: {  	v15 =	vmax.f32 v15, v16  }
0x76: {  	v16 =	vperm.xlane v15, v2;
	_ =	sdelay $0x1  }
0x77: {  	v15 =	vmax.f32 v15, v16  }
0x78: {  	v16 =	vperm.xlane v15, v3;
	_ =	sdelay $0x1  }
0x79: {  	v15 =	vmax.f32 v15, v16  }
0x7a: {  	vm12 =	veq.f32 v11, v15  }
0x7b: {  	v11 =	vnsel vm12, $0x40, v5;
	vm12 =	veq.f32 v12, v15  }
0x7c: {  	v11 =	vsel vm12, v6, v11;
	vm12 =	veq.f32 v13, v15  }
0x7d: {  	v11 =	vsel vm12, v7, v11;
	vm12 =	veq.f32 v10, v15  }
0x7e: {  	v10 =	vsel vm12, v4, v11  }
0x7f: {  	v11 =	vperm.xlane v10, v0;
	_ =	sdelay $0x1  }
0x80: {  	vm12 =	vlt.s32 v10, v11  }
0x81: {  	v10 =	vsel vm12, v10, v11  }
0x82: {  	v11 =	vperm.xlane v10, v1  }
0x83: {  	v16 =	vnsel vm1, $0x0, v9;
	v12 =	vnsel vm2, $0x0, v9  }
0x84: {  	s11 =	sand.u32 $0x3, s2;
	v13 =	vnsel vm3, $0x0, v9;
	v9 =	vnsel vm0, $0x0, v9;
	vm0 =	vlt.s32 v10, v11  }
0x85: {  	s12 =	sshll.u32 s11, $0x2;
	v12 =	vsel vm6, v14, v12;
	v13 =	vsel vm7, v14, v13;
	v10 =	vsel vm0, v10, v11  }
0x86: {  	s13 =	sor.u32 $0x1, s12;
	v9 =	vsel vm5, v14, v9;
	v11 =	vsel vm4, v14, v16;
	v14 =	vperm.xlane v10, v2  }
0x87: {  	v22 =	vimm.s32 $0x0;
	v23 =	vmov s12;
	s12 =	sor.u32 $0x2, s12;
	v24 =	vmov s13  }
0x88: {  	s31 =	sshllo.u32 s11, $0x2;
	v25 =	vmov s12;
	v18 =	vsel vm10, v17, v12;
	vm0 =	vlt.s32 v10, v14  }
0x89: {  	v12 =	vmov s31;
	v16 =	vsel vm11, v17, v13;
	v10 =	vsel vm0, v10, v14  }
0x8a: {  	v19 =	vsel vm9, v17, v11;
	vm0 =	veq.s32 v23, v4;
	v11 =	vperm.xlane v10, v3  }
0x8b: {  	v17 =	vsel vm8, v17, v9;
	v8 =	vsel vm0, v8, v22;
	vm0 =	veq.s32 v24, v4  }
0x8c: {  	s14 =	simm.s32 $0xA0;
	v8 =	vsel vm0, v20, v8;
	vm0 =	veq.s32 v25, v4;
	vm1 =	vlt.s32 v10, v11  }
0x8d: {  	s15 =	simm.s32 $0x0;
	s13 =	simm.s32 $0x1;
	s12 =	simm.s32 $0x0;
	v8 =	vsel vm0, v21, v8;
	vm0 =	veq.s32 v12, v4;
	v10 =	vsel vm1, v10, v11  }
.LBB2_2:
0x8e: {  	s16 =	sand.u32 $0x3, s13;
	s13 =	sadd.s32 $0x1, s13;
	vm1 =	veq.s32 v10, v4;
	vm2 =	veq.s32 v10, v7;
	v8 =	vsel vm0, v10, v8;
	s15 =	sadd.s32 $0x10, s15  }
0x8f: {  	vm0 =	veq.s32 v10, v5;
	s17 =	sshll.u32 s16, $0x2;
	s18 =	sshllo.u32 s16, $0x2;
	p0 =	sne.s32 s13, $0x100;
	v11 =	vsel vm1, v15, v18;
	v12 =	vsel vm2, v15, v19  }
0x90: {  	p1 =	sne.s32 s11, $0x3;
	vm1 =	veq.s32 v10, v6;
	v13 =	vsel vm0, v15, v16;
	v9 =	vmov s17;
	s19 =	sor.u32 $0x1, s17;
	s17 =	sor.u32 $0x2, s17;
	[tilespmem:s10+$0xFFFFFFE0] =	vst v11  }
0x91: {  	s11 =	smov.u32 s16;
	v14 =	vsel vm1, v15, v17;
	v11 =	vmov s19;
	v10 =	vmov s17;
	[tilespmem:s10+$0xFFFFFFF0] =	vst v12;
	s17 =	sand.u32 @!p1 $0xFC0, s12;
	s12 =	smov.u32 s15  }
0x92: {  	v12 =	vmov s18;
	[tilespmem:s10+$0x0] =	vst v14;
	s16 =	sshrl.u32 @!p1 s17, $0x2  }
0x93: {  	[tilespmem:s10+$0x10] =	vst v13;
	s10 =	smov.u32 s14  }
0x94: {  	[tilespmem:s16+$0x8000] =	vst @!p1 v8  }
0x95: {  	v14 =	vld [tilespmem:s14+$0xFFFFFFE0]  }
0x96: {  	v15 =	vld [tilespmem:s14+$0x10]  }
0x97: {  	v16 =	vld [tilespmem:s14+$0x0]  }
0x98: {  	v17 =	vld [tilespmem:s14+$0xFFFFFFF0];
	_ =	sdelay $0x3  }
0x99: {  	v13 =	vmax.f32 v16, v15  }
0x9a: {  	v18 =	vmax.f32 v14, v17  }
0x9b: {  	v13 =	vmax.f32 v18, v13  }
0x9c: {  	v18 =	vperm.xlane v13, v0;
	_ =	sdelay $0x1  }
0x9d: {  	v13 =	vmax.f32 v13, v18  }
0x9e: {  	v18 =	vperm.xlane v13, v1;
	_ =	sdelay $0x1  }
0x9f: {  	v13 =	vmax.f32 v13, v18  }
0xa0: {  	v18 =	vperm.xlane v13, v2;
	_ =	sdelay $0x1  }
0xa1: {  	v13 =	vmax.f32 v13, v18  }
0xa2: {  	v18 =	vperm.xlane v13, v3;
	_ =	sdelay $0x1  }
0xa3: {  	v18 =	vmax.f32 v13, v18  }
0xa4: {  	vm0 =	veq.f32 v14, v18;
	vm1 =	veq.f32 v17, v18;
	vm2 =	veq.f32 v15, v18  }
0xa5: {  	vm3 =	veq.f32 v16, v18;
	v13 =	vnsel vm2, $0x40, v5  }
0xa6: {  	v13 =	vsel vm3, v6, v13  }
0xa7: {  	v13 =	vsel vm1, v7, v13  }
0xa8: {  	v13 =	vsel vm0, v4, v13  }
0xa9: {  	v19 =	vperm.xlane v13, v0;
	_ =	sdelay $0x1  }
0xaa: {  	vm0 =	vlt.s32 v13, v19  }
0xab: {  	v13 =	vsel vm0, v13, v19  }
0xac: {  	v19 =	vperm.xlane v13, v1;
	_ =	sdelay $0x1  }
0xad: {  	vm0 =	vlt.s32 v13, v19  }
0xae: {  	v13 =	vsel vm0, v13, v19  }
0xaf: {  	v19 =	vperm.xlane v13, v2;
	_ =	sdelay $0x1  }
0xb0: {  	vm0 =	vlt.s32 v13, v19  }
0xb1: {  	v13 =	vsel vm0, v13, v19  }
0xb2: {  	v19 =	vperm.xlane v13, v3;
	_ =	sdelay $0x1  }
0xb3: {  	vm0 =	vlt.s32 v13, v19  }
0xb4: {  	v13 =	vsel vm0, v13, v19  }
0xb5: {  	vm0 =	veq.s32 v13, v4;
	vm1 =	veq.s32 v13, v7;
	vm2 =	veq.s32 v13, v6  }
0xb6: {  	vm3 =	veq.s32 v13, v5;
	v19 =	vsel vm0, $0xFF800000, v14;
	v17 =	vsel vm1, $0xFF800000, v17  }
0xb7: {  	v16 =	vsel vm2, $0xFF800000, v16;
	v15 =	vsel vm3, $0xFF800000, v15;
	v14 =	vmax.f32 v19, v17  }
0xb8: {  	v20 =	vnsel vm0, $0x0, v18;
	v21 =	vnsel vm3, $0x0, v18;
	v22 =	vmax.f32 v16, v15  }
0xb9: {  	v23 =	vnsel vm1, $0x0, v18;
	v18 =	vnsel vm2, $0x0, v18;
	v14 =	vmax.f32 v14, v22  }
0xba: {  	v22 =	vperm.xlane v14, v0;
	_ =	sdelay $0x1  }
0xbb: {  	v14 =	vmax.f32 v14, v22  }
0xbc: {  	v22 =	vperm.xlane v14, v1;
	_ =	sdelay $0x1  }
0xbd: {  	v14 =	vmax.f32 v14, v22  }
0xbe: {  	v22 =	vperm.xlane v14, v2;
	_ =	sdelay $0x1  }
0xbf: {  	v14 =	vmax.f32 v14, v22  }
0xc0: {  	v22 =	vperm.xlane v14, v3;
	_ =	sdelay $0x1  }
0xc1: {  	v22 =	vmax.f32 v14, v22  }
0xc2: {  	vm0 =	veq.f32 v17, v22;
	vm1 =	veq.f32 v16, v22;
	vm2 =	veq.f32 v15, v22  }
0xc3: {  	vm3 =	veq.f32 v19, v22;
	v14 =	vnsel vm2, $0x40, v5  }
0xc4: {  	v14 =	vsel vm1, v6, v14  }
0xc5: {  	v14 =	vsel vm0, v7, v14  }
0xc6: {  	v14 =	vsel vm3, v4, v14  }
0xc7: {  	v24 =	vperm.xlane v14, v0;
	_ =	sdelay $0x1  }
0xc8: {  	vm0 =	vlt.s32 v14, v24  }
0xc9: {  	v14 =	vsel vm0, v14, v24  }
0xca: {  	v24 =	vperm.xlane v14, v1;
	_ =	sdelay $0x1  }
0xcb: {  	vm0 =	vlt.s32 v14, v24  }
0xcc: {  	v14 =	vsel vm0, v14, v24  }
0xcd: {  	v24 =	vperm.xlane v14, v2;
	_ =	sdelay $0x1  }
0xce: {  	vm0 =	vlt.s32 v14, v24  }
0xcf: {  	v14 =	vsel vm0, v14, v24  }
0xd0: {  	v24 =	vperm.xlane v14, v3;
	_ =	sdelay $0x1  }
0xd1: {  	vm0 =	vlt.s32 v14, v24  }
0xd2: {  	v14 =	vsel vm0, v14, v24  }
0xd3: {  	vm0 =	veq.s32 v14, v4;
	vm1 =	veq.s32 v14, v7;
	vm2 =	veq.s32 v14, v6  }
0xd4: {  	vm3 =	veq.s32 v14, v5;
	v19 =	vsel vm0, $0xFF800000, v19;
	v17 =	vsel vm1, $0xFF800000, v17  }
0xd5: {  	v16 =	vsel vm2, $0xFF800000, v16;
	v15 =	vsel vm3, $0xFF800000, v15;
	v24 =	vmax.f32 v19, v17  }
0xd6: {  	v20 =	vsel vm0, v22, v20;
	v21 =	vsel vm3, v22, v21;
	v25 =	vmax.f32 v16, v15  }
0xd7: {  	v23 =	vsel vm1, v22, v23;
	v22 =	vsel vm2, v22, v18;
	v18 =	vmax.f32 v24, v25  }
0xd8: {  	v24 =	vperm.xlane v18, v0;
	_ =	sdelay $0x1  }
0xd9: {  	v18 =	vmax.f32 v18, v24  }
0xda: {  	v24 =	vperm.xlane v18, v1;
	_ =	sdelay $0x1  }
0xdb: {  	v18 =	vmax.f32 v18, v24  }
0xdc: {  	v24 =	vperm.xlane v18, v2;
	_ =	sdelay $0x1  }
0xdd: {  	v18 =	vmax.f32 v18, v24  }
0xde: {  	v24 =	vperm.xlane v18, v3;
	_ =	sdelay $0x1  }
0xdf: {  	v24 =	vmax.f32 v18, v24  }
0xe0: {  	vm0 =	veq.f32 v17, v24;
	vm1 =	veq.f32 v16, v24;
	vm2 =	veq.f32 v15, v24  }
0xe1: {  	vm3 =	veq.f32 v19, v24;
	v18 =	vnsel vm2, $0x40, v5  }
0xe2: {  	v18 =	vsel vm1, v6, v18  }
0xe3: {  	v18 =	vsel vm0, v7, v18  }
0xe4: {  	v18 =	vsel vm3, v4, v18  }
0xe5: {  	v25 =	vperm.xlane v18, v0;
	_ =	sdelay $0x1  }
0xe6: {  	vm0 =	vlt.s32 v18, v25  }
0xe7: {  	v18 =	vsel vm0, v18, v25  }
0xe8: {  	v25 =	vperm.xlane v18, v1;
	_ =	sdelay $0x1  }
0xe9: {  	vm0 =	vlt.s32 v18, v25  }
0xea: {  	v18 =	vsel vm0, v18, v25  }
0xeb: {  	v25 =	vperm.xlane v18, v2;
	_ =	sdelay $0x1  }
0xec: {  	vm0 =	vlt.s32 v18, v25  }
0xed: {  	v18 =	vsel vm0, v18, v25  }
0xee: {  	v25 =	vperm.xlane v18, v3;
	_ =	sdelay $0x1  }
0xef: {  	vm0 =	vlt.s32 v18, v25  }
0xf0: {  	v25 =	vsel vm0, v18, v25  }
0xf1: {  	vm0 =	veq.s32 v25, v4;
	vm1 =	veq.s32 v25, v7;
	vm2 =	veq.s32 v25, v6  }
0xf2: {  	vm3 =	veq.s32 v25, v5;
	v26 =	vsel vm0, $0xFF800000, v19;
	v27 =	vsel vm1, $0xFF800000, v17  }
0xf3: {  	v28 =	vsel vm2, $0xFF800000, v16;
	v29 =	vsel vm3, $0xFF800000, v15;
	v15 =	vmax.f32 v26, v27  }
0xf4: {  	v18 =	vsel vm0, v24, v20;
	v16 =	vsel vm3, v24, v21;
	v20 =	vmax.f32 v28, v29  }
0xf5: {  	v19 =	vsel vm1, v24, v23;
	v17 =	vsel vm2, v24, v22;
	v15 =	vmax.f32 v15, v20  }
0xf6: {  	v20 =	vperm.xlane v15, v0;
	_ =	sdelay $0x1  }
0xf7: {  	v15 =	vmax.f32 v15, v20  }
0xf8: {  	v20 =	vperm.xlane v15, v1;
	_ =	sdelay $0x1  }
0xf9: {  	v15 =	vmax.f32 v15, v20  }
0xfa: {  	v20 =	vperm.xlane v15, v2;
	_ =	sdelay $0x1  }
0xfb: {  	v15 =	vmax.f32 v15, v20  }
0xfc: {  	v20 =	vperm.xlane v15, v3;
	_ =	sdelay $0x1  }
0xfd: {  	v15 =	vmax.f32 v15, v20  }
0xfe: {  	vm0 =	veq.f32 v26, v15;
	vm1 =	veq.f32 v27, v15;
	vm2 =	veq.f32 v29, v15  }
0xff: {  	vm3 =	veq.f32 v28, v15;
	v20 =	vnsel vm2, $0x40, v5  }
0x100: {  	v20 =	vsel vm3, v6, v20  }
0x101: {  	v20 =	vsel vm1, v7, v20  }
0x102: {  	v20 =	vsel vm0, v4, v20  }
0x103: {  	v21 =	vperm.xlane v20, v0;
	_ =	sdelay $0x1  }
0x104: {  	vm0 =	vlt.s32 v20, v21  }
0x105: {  	v20 =	vsel vm0, v20, v21  }
0x106: {  	v21 =	vperm.xlane v20, v1;
	_ =	sdelay $0x1  }
0x107: {  	vm0 =	vlt.s32 v20, v21  }
0x108: {  	v20 =	vsel vm0, v20, v21  }
0x109: {  	v21 =	vperm.xlane v20, v2;
	_ =	sdelay $0x1  }
0x10a: {  	vm0 =	vlt.s32 v20, v21  }
.Ltmp0:
0x10b: {  	vm1 =	veq.s32 v9, v4;
	v9 =	vsel vm0, v20, v21;
	(pc) =	sbr.rel @p0 .LBB2_2-.Ltmp0, $4  }
0x10c: {  	v8 =	vsel vm1, v13, v8;
	vm0 =	veq.s32 v11, v4;
	v11 =	vperm.xlane v9, v3  }
0x10d: {  	v8 =	vsel vm0, v14, v8;
	vm0 =	veq.s32 v10, v4  }
0x10e: {  	v8 =	vsel vm0, v25, v8;
	vm0 =	veq.s32 v12, v4;
	vm1 =	vlt.s32 v9, v11  }
0x10f: {  	s14 =	sadd.s32 $0x80, s14;
	v10 =	vsel vm1, v9, v11  }
0x110: {  	vm1 =	veq.s32 v10, v4  }
0x111: {  	vm2 =	veq.s32 v10, v7;
	v9 =	vsel vm1, v15, v18  }
0x112: {  	vm14 =	veq.s32 v10, v6;
	v11 =	vsel vm2, v15, v19;
	[tilespmem:s10+$0xFFFFFFE0] =	vst v9  }
0x113: {  	vm15 =	veq.s32 v10, v5;
	p0 =	sne.s32 s11, $0x3;
	v62 =	vsel vm14, v15, v17;
	[tilespmem:s10+$0xFFFFFFF0] =	vst v11  }
0x114: {  	v63 =	vsel vm15, v15, v16;
	s11 =	sand.u32 @!p0 $0xFC0, s12;
	[tilespmem:s10+$0x0] =	vst v62  }
0x115: {  	v8 =	vsel vm0, v10, v8;
	s11 =	sshrl.u32 @!p0 s11, $0x2;
	[tilespmem:s10+$0x10] =	vst v63  }
0x116: {  	[tilespmem:s11+$0x8000] =	vst @!p0 v8  }
0x117: {  	[hbm4b:s4+s2] =	stream.linear.scatter [tilespmem:s2], [sflag:$0x1], $0x8000, $0x38;
	[tilespmem:$0x8400] =	vst v63  }
0x118: {  	s9 =	sadd.s32 $0x1, s9;
	_ =	swait.ge [sflag:s7], $0x8000  }
0x119: {  	p0 =	sne.s32 s9, s6;
	[sflag:s7] =	ssyncset.done $0x0  }
.Ltmp1:
0x11a: {  	[sflag:s7] =	ssyncadd.s32 $0xFFFF8000;
	(pc) =	sbr.rel @p0 .LBB2_1-.Ltmp1, $4  }
0x11b: {  	[hbm4b:s5+s2] =	stream.linear.scatter [tilespmem:s8], [sflag:$0x1], $0x400, $0x38;
	[tilespmem:$0x8400] =	vst v63  }
0x11c: {  	_ =	swait.ge [sflag:s7], $0x400  }
0x11d: {  	[sflag:s7] =	ssyncset.done $0x0  }
0x11e: {  	[sflag:s7] =	ssyncadd.s32 $0xFFFFFC00  }
0x11f: {  	_ =	sfence.sel $0x180000  }
0x120: {  	[bflag:$0x0] =	sbarrier.arrive $0xFFFF  }
0x121: {  	p0 =	sne.s32 s1, $0x0;
	_ =	strace $0x90000047  }
0x122: {  	s0 =	sadd.s32 @!p0 $0x100000, s0;
	[bflag:$0x2] =	sbarrier.arrive $0xFFFF  }
0x123: {  	[sflag:s0] =	ssyncadd.tile.s32 @!p0 $0x1;
	_ =	shalt  }
.Lfunc_end2:
_tile_overlayer_lowered:
.L_overlay_start_2:
0x124: {  	(tag) =	ssettag $0x2  }
0x125: {  	s0 =	rddreg [dreg:$0x0];
	s2 =	stileid.u32  }
0x126: {  	s1 =	rddreg [dreg:$0x1];
	p0 =	sne.s32 s2, $0x0  }
0x127: {  	s3 =	rddreg [dreg:$0x2];
	[bflag:$0x3] =	sbarrier.arrive $0xFFFF;
	s2 =	simm.s32 @!p0 $0x1C01  }
0x128: {  	[timem:s3], [sflag:s2] =	dma.local @!p0 [hbm:s0], s1  }
0x129: {  	s0 =	simm.s32 @!p0 $0x1  }
0x12a: {  	_ =	swait.ge @!p0 [sflag:s0], s1  }
0x12b: {  	s1 =	ssub.s32 @!p0 $0x0, s1;
	[sflag:s0] =	ssyncset.done @!p0 $0x0  }
0x12c: {  	[sflag:s0] =	ssyncadd.s32 @!p0 s1  }
0x12d: {  	[bflag:$0x3] =	sbarrier.arrive $0xFFFF  }
0x12e: {  	_ =	shalt  }

</sc_bundles>
